<compile_context>
chip_gen: v7x
topology: tpu7x:2x2x1
jax: 0.10.2.dev20260603
libtpu: 0.0.44.dev20260713+nightly
codegen_flags: <defaults>
</compile_context>

<pallas_src>
import dataclasses
import functools

import jax
import jax.numpy as jnp
from jax import lax
from jax.experimental import pallas as pl
from jax.experimental.pallas import tpu as pltpu
from jax.experimental.pallas import tpu_sc as plsc

_CUTOFF_SQ = 1.5 ** 2
_K = 128
_BATCH = 128
_N = 16384
_NCH = _N // 16
_HBINS = 1024
_NW = 32
_RPW = _BATCH // _NW

_mesh = plsc.VectorSubcoreMesh(core_axis_name="c", subcore_axis_name="s")
_cp = pltpu.CompilerParams()
if "needs_layout_passes" in pltpu.CompilerParams.__dataclass_fields__:
    _cp = dataclasses.replace(_cp, needs_layout_passes=False)


@functools.partial(
    pl.kernel,
    mesh=_mesh,
    compiler_params=_cp,
    out_type=jax.ShapeDtypeStruct((_BATCH, 3 * _K), jnp.float32),
    scratch_types=[
        pltpu.VMEM((3 * _N // 128, 128), jnp.float32),
        pltpu.VMEM((_N,), jnp.float32),
        pltpu.VMEM((_HBINS,), jnp.int32),
        pltpu.VMEM((_N + 16,), jnp.float32),
        pltpu.VMEM((_N + 16,), jnp.int32),
        pltpu.VMEM((_K + 16,), jnp.float32),
        pltpu.VMEM((_K + 16,), jnp.int32),
        pltpu.VMEM((3 * _BATCH + 16,), jnp.float32),
        pltpu.VMEM((3 * _K,), jnp.float32),
        pltpu.VMEM((_NCH,), jnp.int32),
        pltpu.VMEM((_NCH + 16,), jnp.int32),
        pltpu.VMEM((_NCH + 16,), jnp.int32),
        pltpu.SemaphoreType.DMA,
        pltpu.SemaphoreType.DMA,
        pltpu.SemaphoreType.DMA,
        pltpu.SemaphoreType.DMA,
    ],
)
def _sc_select(coords_hbm, ref_hbm, out_hbm,
               crow, drow, hist, cd, ci, sd, si, refv, outv,
               cnt, nzid, nzbase, sem0, sem1, sem2, sem3):
    wid = lax.axis_index("s") * 2 + lax.axis_index("c")
    lane = lax.iota(jnp.int32, 16)
    ones_i = jnp.ones((16,), jnp.int32)
    zeros_i = jnp.zeros((16,), jnp.int32)

    pltpu.sync_copy(ref_hbm, refv)

    sems = (sem0, sem1, sem2, sem3)
    nq = 4
    q_rows = 3 * _N // 128 // nq
    q_ch = _NCH // nq

    @pl.loop(0, _RPW)
    def _row(r):
        b = wid * _RPW + r
        copies = [
            pltpu.async_copy(
                coords_hbm.at[b].at[pl.ds(q * q_rows, q_rows)],
                crow.at[pl.ds(q * q_rows, q_rows)], sems[q])
            for q in range(nq)
        ]

        rvec = refv[pl.ds(b * 3, 16)]
        rx = jnp.full((16,), rvec[0], jnp.float32)
        ry = jnp.full((16,), rvec[1], jnp.float32)
        rz = jnp.full((16,), rvec[2], jnp.float32)

        @pl.loop(0, _HBINS // 16)
        def _hz(h):
            hist[pl.ds(h * 16, 16)] = zeros_i

        for q in range(nq):
            copies[q].wait()

            @plsc.parallel_loop(q * q_ch, (q + 1) * q_ch, unroll=4)
            def _p1(c):
                fp = c * 48 + lane * 3
                x = plsc.load_gather(crow, [fp >> 7, fp & 127])
                fp1 = fp + 1
                y = plsc.load_gather(crow, [fp1 >> 7, fp1 & 127])
                fp2 = fp + 2
                z = plsc.load_gather(crow, [fp2 >> 7, fp2 & 127])
                dx = x - rx
                dy = y - ry
                dz = z - rz
                d = (dx * dx + dy * dy) + dz * dz
                drow[pl.ds(c * 16, 16)] = d
                bins = lax.shift_right_logical(plsc.bitcast(d, jnp.int32), 21)
                plsc.addupdate_scatter(hist, [bins], ones_i)

        def _scan(i, carry):
            total, bsel_v, cless_v = carry
            h = hist[pl.ds(i * 16, 16)]
            cum = plsc.cumsum(h) + total
            mlt = cum < _K
            bsel_v = bsel_v + plsc.all_reduce_population_count(mlt)
            cless_v = jnp.maximum(cless_v, jnp.where(mlt, cum, 0))
            return cum[15], bsel_v, cless_v

        _, bsel_v, _cless_v = lax.fori_loop(
            0, _HBINS // 16, _scan, (jnp.int32(0), zeros_i, zeros_i))
        bin_sel = bsel_v[0]
        bin_sel_v = jnp.full((16,), bin_sel, jnp.int32)

        @plsc.parallel_loop(0, _NCH, unroll=4)
        def _p2a(c):
            d = drow[pl.ds(c * 16, 16)]
            bins = lax.shift_right_logical(plsc.bitcast(d, jnp.int32), 21)
            keep = bins <= bin_sel_v
            plsc.store_compressed(cd.at[pl.ds(c * 16, 16)], d, mask=keep)
            plsc.store_compressed(ci.at[pl.ds(c * 16, 16)], c * 16 + lane,
                                  mask=keep)
            pc = plsc.all_reduce_population_count(keep)
            cv = jnp.full((16,), c, jnp.int32)
            plsc.store_scatter(cnt, [cv], pc, mask=lane == 0)

        def _p2b(g, carry):
            total, off_v = carry
            cv = cnt[pl.ds(g * 16, 16)]
            cs = plsc.cumsum(cv) + total
            base_v = cs - cv
            nz = cv > 0
            off_s = off_v[0]
            plsc.store_compressed(nzid.at[pl.ds(off_s, 16)], g * 16 + lane,
                                  mask=nz)
            plsc.store_compressed(nzbase.at[pl.ds(off_s, 16)], base_v, mask=nz)
            off_v = off_v + plsc.all_reduce_population_count(nz)
            return cs[15], off_v

        s_cnt, m_v = lax.fori_loop(0, _NCH // 16, _p2b,
                                   (jnp.int32(0), zeros_i))
        m_cnt = m_v[0]

        @pl.loop(0, m_cnt)
        def _p2c(j):
            cid = nzid[pl.ds(j, 16)][0]
            bse = nzbase[pl.ds(j, 16)][0]
            dvv = cd[pl.ds(cid * 16, 16)]
            ivv = ci[pl.ds(cid * 16, 16)]
            cd[pl.ds(bse, 16)] = dvv
            ci[pl.ds(bse, 16)] = ivv

        cd[pl.ds(s_cnt, 16)] = jnp.full((16,), jnp.inf, jnp.float32)
        ci[pl.ds(s_cnt, 16)] = jnp.full((16,), jnp.int32(1 << 30), jnp.int32)
        nvec = (s_cnt + 15) // 16

        @plsc.parallel_loop(0, s_cnt)
        def _rank(i):
            iv16 = jnp.full((16,), i, jnp.int32)
            div = plsc.load_gather(cd, [iv16])
            iiv = plsc.load_gather(ci, [iv16])

            def _inner(j, acc):
                dd = cd[pl.ds(j * 16, 16)]
                xi = ci[pl.ds(j * 16, 16)]
                less = (dd < div) | ((dd == div) & (xi < iiv))
                return acc + jnp.where(less, 1, 0)

            acc = lax.fori_loop(0, nvec, _inner, zeros_i)
            rank_vec = lax.rev(plsc.cumsum(acc), (0,))
            keepm = (lane == 0) & (rank_vec < _K)
            plsc.store_scatter(sd, [rank_vec], div, mask=keepm)
            plsc.store_scatter(si, [rank_vec], iiv, mask=keepm)

        b3 = jnp.full((16,), b * 3, jnp.int32)

        @pl.loop(0, 3 * _K // 16)
        def _out(v):
            fpos = v * 16 + lane
            slot = fpos // 3
            comp = fpos - slot * 3
            p = plsc.load_gather(si, [slot])
            dsel = plsc.load_gather(sd, [slot])
            fsel = p * 3 + comp
            val = plsc.load_gather(crow, [fsel >> 7, fsel & 127])
            rc = plsc.load_gather(refv, [b3 + comp])
            res = jnp.where(dsel <= _CUTOFF_SQ, val - rc,
                            jnp.zeros((16,), jnp.float32))
            outv[pl.ds(v * 16, 16)] = res

        pltpu.sync_copy(outv, out_hbm.at[b])


def kernel(coords, ref):
    batch, n, _ = coords.shape
    coords_flat = coords.reshape(batch, 3 * n // 128, 128)
    ref_flat = jnp.pad(ref.reshape(-1), (0, 16))
    out = _sc_select(coords_flat, ref_flat)
    return out.reshape(batch, _K, 3)

# --- scband reference (transcript-rebuilt; emitter-appended) ---
"""Pipeline reference for scband-distance-selection-9526237463162 (READ-ONLY COPY).

The authoritative reference and input builder live on the scoring server;
editing this copy changes nothing except your own understanding.
"""

import jax, jax.numpy as jnp
import numpy as np

CUTOFF = 1.5
MAX_INCLUDED = 128


def setup_inputs(seed: int = 0) -> dict:
    key = jax.random.key(seed)
    k1, k2 = jax.random.split(key)
    coords = jax.random.normal(k1, (128, 16384, 3), dtype=jnp.float32)
    ref = jax.random.normal(k2, (128, 3), dtype=jnp.float32)
    return {"coords": coords, "ref": ref}


def reference(coords, ref):
    sq_cut = CUTOFF ** 2
    batch = coords.shape[0]
    # local coordinates relative to reference (no periodic box: box_lengths=None)
    local = coords - ref.reshape(batch, 1, 3)
    n_particles = local.shape[1]
    if n_particles < MAX_INCLUDED:
        pad = jnp.full((batch, MAX_INCLUDED - n_particles, 3), jnp.finfo(jnp.float32).max, dtype=local.dtype)
        local = jnp.concatenate([local, pad], axis=1)
    dists_sq = jnp.sum(local * local, axis=-1)
    # top_k on negated squared distances -> nearest MAX_INCLUDED particles
    neg_near_dists, near_inds = jax.lax.top_k(-dists_sq, MAX_INCLUDED)
    select_coords = jnp.take_along_axis(local, near_inds[:, :, None], axis=1)
    mask = (-neg_near_dists <= sq_cut)[:, :, None]
    select_coords = jnp.where(mask, select_coords, jnp.zeros_like(select_coords))
    return select_coords

if __name__ == "__main__":
    import jax
    _d = setup_inputs()
    print(jax.jit(kernel)(*tuple(_d.values())))

</pallas_src>

<mosaic_0001>
#map = affine_map<(d0, d1) -> (0, 0, 0)>
#map1 = affine_map<(d0, d1) -> (0)>
#map2 = affine_map<(d0, d1) -> (0, 0)>
module attributes {stable_mosaic.version = 14 : i64} {
  func.func @_sc_select(%arg0: i32, %arg1: i32, %arg2: memref<128x384x128xf32, #tpu.memory_space<hbm>>, %arg3: memref<400xf32, #tpu.memory_space<hbm>>, %arg4: memref<128x384xf32, #tpu.memory_space<hbm>>, %arg5: memref<384x128xf32, #tpu.memory_space<vmem>>, %arg6: memref<16384xf32, #tpu.memory_space<vmem>>, %arg7: memref<1024xi32, #tpu.memory_space<vmem>>, %arg8: memref<16400xf32, #tpu.memory_space<vmem>>, %arg9: memref<16400xi32, #tpu.memory_space<vmem>>, %arg10: memref<144xf32, #tpu.memory_space<vmem>>, %arg11: memref<144xi32, #tpu.memory_space<vmem>>, %arg12: memref<400xf32, #tpu.memory_space<vmem>>, %arg13: memref<384xf32, #tpu.memory_space<vmem>>, %arg14: memref<1024xi32, #tpu.memory_space<vmem>>, %arg15: memref<1040xi32, #tpu.memory_space<vmem>>, %arg16: memref<1040xi32, #tpu.memory_space<vmem>>, %arg17: memref<!tpu.dma_semaphore, #tpu.memory_space<semaphore_mem>>, %arg18: memref<!tpu.dma_semaphore, #tpu.memory_space<semaphore_mem>>, %arg19: memref<!tpu.dma_semaphore, #tpu.memory_space<semaphore_mem>>, %arg20: memref<!tpu.dma_semaphore, #tpu.memory_space<semaphore_mem>>) attributes {dimension_semantics = [#tpu.dimension_semantics<core_parallel>, #tpu.dimension_semantics<subcore_parallel>], iteration_bounds = array<i64: 2, 16>, scalar_prefetch = 0 : i64, scratch_operands = 16 : i64, tpu.core_type = #tpu.core_type<sc_vector_subcore>, window_params = [{transform_indices = #map}, {transform_indices = #map1}, {transform_indices = #map2}]} {
    %mul3A = arith.constant 2 : i32
    %mul3A_0 = arith.muli %arg1, %mul3A : i32
    %add3A = arith.addi %mul3A_0, %arg0 : i32
    %iota3A = tpu.iota {dimensions = array<i32: 0>} : vector<16xi32>
    %broadcast_in_dim3A = arith.constant 1 : i32
    %broadcast_in_dim3A_1 = vector.broadcast %broadcast_in_dim3A : i32 to vector<16xi32>
    %broadcast_in_dim3A_2 = arith.constant 0 : i32
    %broadcast_in_dim3A_3 = vector.broadcast %broadcast_in_dim3A_2 : i32 to vector<16xi32>
    "tpu.region"() ({
      %run_scoped3A = tpu.sem_alloc : memref<!tpu.dma_semaphore, #tpu.memory_space<semaphore_mem>>
      tpu.enqueue_dma source(%arg3 : memref<400xf32, #tpu.memory_space<hbm>>) target(%arg12 : memref<400xf32, #tpu.memory_space<vmem>>) target_semaphore(%run_scoped3A : memref<!tpu.dma_semaphore, #tpu.memory_space<semaphore_mem>>)
      tpu.wait_dma2 semaphore(%run_scoped3A : memref<!tpu.dma_semaphore, #tpu.memory_space<semaphore_mem>>) src(%arg3 : memref<400xf32, #tpu.memory_space<hbm>>) dst(%arg12 : memref<400xf32, #tpu.memory_space<vmem>>)
      tpu.yield
    }) : () -> ()
    %scan3A = arith.constant 0 : i32
    %scan3A_4 = arith.constant 4 : i32
    %scan3A_5 = arith.addi %scan3A, %scan3A_4 : i32
    %scan3A_6 = arith.constant 1 : i32
    scf.for %scan3A_8 = %scan3A to %scan3A_5 step %scan3A_6  : i32 {
      %mul3A_9 = arith.constant 1 : i32
      %mul3A_10 = arith.muli %scan3A_8, %mul3A_9 : i32
      %add3A_11 = arith.constant 0 : i32
      %add3A_12 = arith.addi %add3A_11, %mul3A_10 : i32
      %mul3A_13 = arith.constant 4 : i32
      %mul3A_14 = arith.muli %add3A, %mul3A_13 : i32
      %add3A_15 = arith.addi %mul3A_14, %add3A_12 : i32
      %dma_start3A = arith.constant 0 : i32
      %dma_start3A_16 = arith.constant 0 : i32
      %dma_start3A_17 = tpu.memref_slice %arg5[%dma_start3A, %dma_start3A_16] : memref<384x128xf32, #tpu.memory_space<vmem>> -> memref<96x128xf32, #tpu.memory_space<vmem>>
      %dma_start3A_18 = arith.constant 0 : i32
      %dma_start3A_19 = arith.constant 0 : i32
      %dma_start3A_20 = tpu.memref_slice %arg2[%add3A_15, %dma_start3A_18, %dma_start3A_19] : memref<128x384x128xf32, #tpu.memory_space<hbm>> -> memref<1x384x128xf32, #tpu.memory_space<hbm>>
      %dma_start3A_21 = tpu.memref_squeeze %dma_start3A_20 : memref<1x384x128xf32, #tpu.memory_space<hbm>> -> memref<384x128xf32, #tpu.memory_space<hbm>>
      %dma_start3A_22 = arith.constant 0 : i32
      %dma_start3A_23 = arith.constant 0 : i32
      %dma_start3A_24 = tpu.memref_slice %dma_start3A_21[%dma_start3A_22, %dma_start3A_23] : memref<384x128xf32, #tpu.memory_space<hbm>> -> memref<96x128xf32, #tpu.memory_space<hbm>>
      %dma_start3A_25 = arith.constant 0 : i32
      %dma_start3A_26 = arith.constant 0 : i32
      %dma_start3A_27 = tpu.memref_slice %arg5[%dma_start3A_25, %dma_start3A_26] : memref<384x128xf32, #tpu.memory_space<vmem>> -> memref<96x128xf32, #tpu.memory_space<vmem>>
      %dma_start3A_28 = arith.constant 0 : i32
      %dma_start3A_29 = arith.constant 0 : i32
      %dma_start3A_30 = tpu.memref_slice %arg2[%add3A_15, %dma_start3A_28, %dma_start3A_29] : memref<128x384x128xf32, #tpu.memory_space<hbm>> -> memref<1x384x128xf32, #tpu.memory_space<hbm>>
      %dma_start3A_31 = tpu.memref_squeeze %dma_start3A_30 : memref<1x384x128xf32, #tpu.memory_space<hbm>> -> memref<384x128xf32, #tpu.memory_space<hbm>>
      %dma_start3A_32 = arith.constant 0 : i32
      %dma_start3A_33 = arith.constant 0 : i32
      %dma_start3A_34 = tpu.memref_slice %dma_start3A_31[%dma_start3A_32, %dma_start3A_33] : memref<384x128xf32, #tpu.memory_space<hbm>> -> memref<96x128xf32, #tpu.memory_space<hbm>>
      tpu.enqueue_dma source(%dma_start3A_34 : memref<96x128xf32, #tpu.memory_space<hbm>>) target(%dma_start3A_27 : memref<96x128xf32, #tpu.memory_space<vmem>>) target_semaphore(%arg17 : memref<!tpu.dma_semaphore, #tpu.memory_space<semaphore_mem>>)
      %dma_start3A_35 = arith.constant 96 : i32
      %dma_start3A_36 = arith.constant 0 : i32
      %dma_start3A_37 = tpu.memref_slice %arg5[%dma_start3A_35, %dma_start3A_36] : memref<384x128xf32, #tpu.memory_space<vmem>> -> memref<96x128xf32, #tpu.memory_space<vmem>>
      %dma_start3A_38 = arith.constant 0 : i32
      %dma_start3A_39 = arith.constant 0 : i32
      %dma_start3A_40 = tpu.memref_slice %arg2[%add3A_15, %dma_start3A_38, %dma_start3A_39] : memref<128x384x128xf32, #tpu.memory_space<hbm>> -> memref<1x384x128xf32, #tpu.memory_space<hbm>>
      %dma_start3A_41 = tpu.memref_squeeze %dma_start3A_40 : memref<1x384x128xf32, #tpu.memory_space<hbm>> -> memref<384x128xf32, #tpu.memory_space<hbm>>
      %dma_start3A_42 = arith.constant 96 : i32
      %dma_start3A_43 = arith.constant 0 : i32
      %dma_start3A_44 = tpu.memref_slice %dma_start3A_41[%dma_start3A_42, %dma_start3A_43] : memref<384x128xf32, #tpu.memory_space<hbm>> -> memref<96x128xf32, #tpu.memory_space<hbm>>
      %dma_start3A_45 = arith.constant 96 : i32
      %dma_start3A_46 = arith.constant 0 : i32
      %dma_start3A_47 = tpu.memref_slice %arg5[%dma_start3A_45, %dma_start3A_46] : memref<384x128xf32, #tpu.memory_space<vmem>> -> memref<96x128xf32, #tpu.memory_space<vmem>>
      %dma_start3A_48 = arith.constant 0 : i32
      %dma_start3A_49 = arith.constant 0 : i32
      %dma_start3A_50 = tpu.memref_slice %arg2[%add3A_15, %dma_start3A_48, %dma_start3A_49] : memref<128x384x128xf32, #tpu.memory_space<hbm>> -> memref<1x384x128xf32, #tpu.memory_space<hbm>>
      %dma_start3A_51 = tpu.memref_squeeze %dma_start3A_50 : memref<1x384x128xf32, #tpu.memory_space<hbm>> -> memref<384x128xf32, #tpu.memory_space<hbm>>
      %dma_start3A_52 = arith.constant 96 : i32
      %dma_start3A_53 = arith.constant 0 : i32
      %dma_start3A_54 = tpu.memref_slice %dma_start3A_51[%dma_start3A_52, %dma_start3A_53] : memref<384x128xf32, #tpu.memory_space<hbm>> -> memref<96x128xf32, #tpu.memory_space<hbm>>
      tpu.enqueue_dma source(%dma_start3A_54 : memref<96x128xf32, #tpu.memory_space<hbm>>) target(%dma_start3A_47 : memref<96x128xf32, #tpu.memory_space<vmem>>) target_semaphore(%arg18 : memref<!tpu.dma_semaphore, #tpu.memory_space<semaphore_mem>>)
      %dma_start3A_55 = arith.constant 192 : i32
      %dma_start3A_56 = arith.constant 0 : i32
      %dma_start3A_57 = tpu.memref_slice %arg5[%dma_start3A_55, %dma_start3A_56] : memref<384x128xf32, #tpu.memory_space<vmem>> -> memref<96x128xf32, #tpu.memory_space<vmem>>
      %dma_start3A_58 = arith.constant 0 : i32
      %dma_start3A_59 = arith.constant 0 : i32
      %dma_start3A_60 = tpu.memref_slice %arg2[%add3A_15, %dma_start3A_58, %dma_start3A_59] : memref<128x384x128xf32, #tpu.memory_space<hbm>> -> memref<1x384x128xf32, #tpu.memory_space<hbm>>
      %dma_start3A_61 = tpu.memref_squeeze %dma_start3A_60 : memref<1x384x128xf32, #tpu.memory_space<hbm>> -> memref<384x128xf32, #tpu.memory_space<hbm>>
      %dma_start3A_62 = arith.constant 192 : i32
      %dma_start3A_63 = arith.constant 0 : i32
      %dma_start3A_64 = tpu.memref_slice %dma_start3A_61[%dma_start3A_62, %dma_start3A_63] : memref<384x128xf32, #tpu.memory_space<hbm>> -> memref<96x128xf32, #tpu.memory_space<hbm>>
      %dma_start3A_65 = arith.constant 192 : i32
      %dma_start3A_66 = arith.constant 0 : i32
      %dma_start3A_67 = tpu.memref_slice %arg5[%dma_start3A_65, %dma_start3A_66] : memref<384x128xf32, #tpu.memory_space<vmem>> -> memref<96x128xf32, #tpu.memory_space<vmem>>
      %dma_start3A_68 = arith.constant 0 : i32
      %dma_start3A_69 = arith.constant 0 : i32
      %dma_start3A_70 = tpu.memref_slice %arg2[%add3A_15, %dma_start3A_68, %dma_start3A_69] : memref<128x384x128xf32, #tpu.memory_space<hbm>> -> memref<1x384x128xf32, #tpu.memory_space<hbm>>
      %dma_start3A_71 = tpu.memref_squeeze %dma_start3A_70 : memref<1x384x128xf32, #tpu.memory_space<hbm>> -> memref<384x128xf32, #tpu.memory_space<hbm>>
      %dma_start3A_72 = arith.constant 192 : i32
      %dma_start3A_73 = arith.constant 0 : i32
      %dma_start3A_74 = tpu.memref_slice %dma_start3A_71[%dma_start3A_72, %dma_start3A_73] : memref<384x128xf32, #tpu.memory_space<hbm>> -> memref<96x128xf32, #tpu.memory_space<hbm>>
      tpu.enqueue_dma source(%dma_start3A_74 : memref<96x128xf32, #tpu.memory_space<hbm>>) target(%dma_start3A_67 : memref<96x128xf32, #tpu.memory_space<vmem>>) target_semaphore(%arg19 : memref<!tpu.dma_semaphore, #tpu.memory_space<semaphore_mem>>)
      %dma_start3A_75 = arith.constant 288 : i32
      %dma_start3A_76 = arith.constant 0 : i32
      %dma_start3A_77 = tpu.memref_slice %arg5[%dma_start3A_75, %dma_start3A_76] : memref<384x128xf32, #tpu.memory_space<vmem>> -> memref<96x128xf32, #tpu.memory_space<vmem>>
      %dma_start3A_78 = arith.constant 0 : i32
      %dma_start3A_79 = arith.constant 0 : i32
      %dma_start3A_80 = tpu.memref_slice %arg2[%add3A_15, %dma_start3A_78, %dma_start3A_79] : memref<128x384x128xf32, #tpu.memory_space<hbm>> -> memref<1x384x128xf32, #tpu.memory_space<hbm>>
      %dma_start3A_81 = tpu.memref_squeeze %dma_start3A_80 : memref<1x384x128xf32, #tpu.memory_space<hbm>> -> memref<384x128xf32, #tpu.memory_space<hbm>>
      %dma_start3A_82 = arith.constant 288 : i32
      %dma_start3A_83 = arith.constant 0 : i32
      %dma_start3A_84 = tpu.memref_slice %dma_start3A_81[%dma_start3A_82, %dma_start3A_83] : memref<384x128xf32, #tpu.memory_space<hbm>> -> memref<96x128xf32, #tpu.memory_space<hbm>>
      %dma_start3A_85 = arith.constant 288 : i32
      %dma_start3A_86 = arith.constant 0 : i32
      %dma_start3A_87 = tpu.memref_slice %arg5[%dma_start3A_85, %dma_start3A_86] : memref<384x128xf32, #tpu.memory_space<vmem>> -> memref<96x128xf32, #tpu.memory_space<vmem>>
      %dma_start3A_88 = arith.constant 0 : i32
      %dma_start3A_89 = arith.constant 0 : i32
      %dma_start3A_90 = tpu.memref_slice %arg2[%add3A_15, %dma_start3A_88, %dma_start3A_89] : memref<128x384x128xf32, #tpu.memory_space<hbm>> -> memref<1x384x128xf32, #tpu.memory_space<hbm>>
      %dma_start3A_91 = tpu.memref_squeeze %dma_start3A_90 : memref<1x384x128xf32, #tpu.memory_space<hbm>> -> memref<384x128xf32, #tpu.memory_space<hbm>>
      %dma_start3A_92 = arith.constant 288 : i32
      %dma_start3A_93 = arith.constant 0 : i32
      %dma_start3A_94 = tpu.memref_slice %dma_start3A_91[%dma_start3A_92, %dma_start3A_93] : memref<384x128xf32, #tpu.memory_space<hbm>> -> memref<96x128xf32, #tpu.memory_space<hbm>>
      tpu.enqueue_dma source(%dma_start3A_94 : memref<96x128xf32, #tpu.memory_space<hbm>>) target(%dma_start3A_87 : memref<96x128xf32, #tpu.memory_space<vmem>>) target_semaphore(%arg20 : memref<!tpu.dma_semaphore, #tpu.memory_space<semaphore_mem>>)
      %mul3A_95 = arith.constant 3 : i32
      %mul3A_96 = arith.muli %add3A_15, %mul3A_95 : i32
      %get3A = arith.index_cast %mul3A_96 : i32 to index
      %get3A_97 = tpu.vector_load %arg12[%get3A] {strides = array<i32>} : memref<400xf32, #tpu.memory_space<vmem>>, vector<16xf32>,
      %slice3A = vector.extract_strided_slice %get3A_97 {offsets = [0], sizes = [1], strides = [1]} : vector<16xf32> to vector<1xf32>
      %squeeze3A = vector.extract %slice3A[0] : f32 from vector<1xf32>
      %broadcast_in_dim3A_98 = vector.broadcast %squeeze3A : f32 to vector<16xf32>
      %slice3A_99 = vector.extract_strided_slice %get3A_97 {offsets = [1], sizes = [1], strides = [1]} : vector<16xf32> to vector<1xf32>
      %squeeze3A_100 = vector.extract %slice3A_99[0] : f32 from vector<1xf32>
      %broadcast_in_dim3A_101 = vector.broadcast %squeeze3A_100 : f32 to vector<16xf32>
      %slice3A_102 = vector.extract_strided_slice %get3A_97 {offsets = [2], sizes = [1], strides = [1]} : vector<16xf32> to vector<1xf32>
      %squeeze3A_103 = vector.extract %slice3A_102[0] : f32 from vector<1xf32>
      %broadcast_in_dim3A_104 = vector.broadcast %squeeze3A_103 : f32 to vector<16xf32>
      %scan3A_105 = arith.constant 0 : i32
      %scan3A_106 = arith.constant 64 : i32
      %scan3A_107 = arith.addi %scan3A_105, %scan3A_106 : i32
      %scan3A_108 = arith.constant 1 : i32
      scf.for %scan3A_275 = %scan3A_105 to %scan3A_107 step %scan3A_108  : i32 {
        %mul3A_276 = arith.constant 1 : i32
        %mul3A_277 = arith.muli %scan3A_275, %mul3A_276 : i32
        %add3A_278 = arith.constant 0 : i32
        %add3A_279 = arith.addi %add3A_278, %mul3A_277 : i32
        %mul3A_280 = arith.constant 16 : i32
        %mul3A_281 = arith.muli %add3A_279, %mul3A_280 : i32
        %swap3A_282 = arith.index_cast %mul3A_281 : i32 to index
        %swap3A_283 = tpu.vector_load %arg7[%swap3A_282] {strides = array<i32>} : memref<1024xi32, #tpu.memory_space<vmem>>, vector<16xi32>,
        tpu.vector_store %arg7[%swap3A_282], %broadcast_in_dim3A_3 {strides = array<i32>} : memref<1024xi32, #tpu.memory_space<vmem>>, vector<16xi32>,
      }
      %scan3A_109 = arith.constant 64 : i32
      %dma_wait3A = arith.constant 0 : i32
      %dma_wait3A_110 = arith.constant 0 : i32
      %dma_wait3A_111 = tpu.memref_slice %arg5[%dma_wait3A, %dma_wait3A_110] : memref<384x128xf32, #tpu.memory_space<vmem>> -> memref<96x128xf32, #tpu.memory_space<vmem>>
      %dma_wait3A_112 = arith.constant 0 : i32
      %dma_wait3A_113 = arith.constant 0 : i32
      %dma_wait3A_114 = tpu.memref_slice %arg2[%add3A_15, %dma_wait3A_112, %dma_wait3A_113] : memref<128x384x128xf32, #tpu.memory_space<hbm>> -> memref<1x384x128xf32, #tpu.memory_space<hbm>>
      %dma_wait3A_115 = tpu.memref_squeeze %dma_wait3A_114 : memref<1x384x128xf32, #tpu.memory_space<hbm>> -> memref<384x128xf32, #tpu.memory_space<hbm>>
      %dma_wait3A_116 = arith.constant 0 : i32
      %dma_wait3A_117 = arith.constant 0 : i32
      %dma_wait3A_118 = tpu.memref_slice %dma_wait3A_115[%dma_wait3A_116, %dma_wait3A_117] : memref<384x128xf32, #tpu.memory_space<hbm>> -> memref<96x128xf32, #tpu.memory_space<hbm>>
      %dma_wait3A_119 = arith.constant 0 : i32
      %dma_wait3A_120 = arith.constant 0 : i32
      %dma_wait3A_121 = tpu.memref_slice %arg5[%dma_wait3A_119, %dma_wait3A_120] : memref<384x128xf32, #tpu.memory_space<vmem>> -> memref<96x128xf32, #tpu.memory_space<vmem>>
      %dma_wait3A_122 = arith.constant 0 : i32
      %dma_wait3A_123 = arith.constant 0 : i32
      %dma_wait3A_124 = tpu.memref_slice %arg2[%add3A_15, %dma_wait3A_122, %dma_wait3A_123] : memref<128x384x128xf32, #tpu.memory_space<hbm>> -> memref<1x384x128xf32, #tpu.memory_space<hbm>>
      %dma_wait3A_125 = tpu.memref_squeeze %dma_wait3A_124 : memref<1x384x128xf32, #tpu.memory_space<hbm>> -> memref<384x128xf32, #tpu.memory_space<hbm>>
      %dma_wait3A_126 = arith.constant 0 : i32
      %dma_wait3A_127 = arith.constant 0 : i32
      %dma_wait3A_128 = tpu.memref_slice %dma_wait3A_125[%dma_wait3A_126, %dma_wait3A_127] : memref<384x128xf32, #tpu.memory_space<hbm>> -> memref<96x128xf32, #tpu.memory_space<hbm>>
      tpu.wait_dma2 semaphore(%arg17 : memref<!tpu.dma_semaphore, #tpu.memory_space<semaphore_mem>>) src(%dma_wait3A_128 : memref<96x128xf32, #tpu.memory_space<hbm>>) dst(%dma_wait3A_121 : memref<96x128xf32, #tpu.memory_space<vmem>>)
      %parallel_loop3A = arith.constant 0 : i32
      %parallel_loop3A_129 = arith.constant 256 : i32
      %parallel_loop3A_130 = arith.constant 1 : i32
      scf.for %parallel_loop3A_275 = %parallel_loop3A to %parallel_loop3A_129 step %parallel_loop3A_130  : i32 {
        %parallel_loop3A_276 = arith.constant 48 : i32
        %parallel_loop3A_277 = arith.muli %parallel_loop3A_275, %parallel_loop3A_276 : i32
        %parallel_loop3A_278 = arith.constant 3 : i32
        %parallel_loop3A_279 = vector.broadcast %parallel_loop3A_278 : i32 to vector<16xi32>
        %parallel_loop3A_280 = arith.muli %iota3A, %parallel_loop3A_279 : vector<16xi32>
        %parallel_loop3A_281 = vector.broadcast %parallel_loop3A_277 : i32 to vector<16xi32>
        %parallel_loop3A_282 = arith.addi %parallel_loop3A_281, %parallel_loop3A_280 : vector<16xi32>
        %parallel_loop3A_283 = arith.constant 7 : i32
        %parallel_loop3A_284 = vector.broadcast %parallel_loop3A_283 : i32 to vector<16xi32>
        %parallel_loop3A_285 = arith.shrsi %parallel_loop3A_282, %parallel_loop3A_284 : vector<16xi32>
        %parallel_loop3A_286 = arith.constant 127 : i32
        %parallel_loop3A_287 = vector.broadcast %parallel_loop3A_286 : i32 to vector<16xi32>
        %parallel_loop3A_288 = arith.andi %parallel_loop3A_282, %parallel_loop3A_287 : vector<16xi32>
        %parallel_loop3A_289 = tpu.vector_load_idx %arg5[%parallel_loop3A_285, %parallel_loop3A_288] : memref<384x128xf32, #tpu.memory_space<vmem>>[vector<16xi32>, vector<16xi32>], vector<16xf32>,
        %parallel_loop3A_290 = arith.constant 1 : i32
        %parallel_loop3A_291 = vector.broadcast %parallel_loop3A_290 : i32 to vector<16xi32>
        %parallel_loop3A_292 = arith.addi %parallel_loop3A_282, %parallel_loop3A_291 : vector<16xi32>
        %parallel_loop3A_293 = arith.constant 7 : i32
        %parallel_loop3A_294 = vector.broadcast %parallel_loop3A_293 : i32 to vector<16xi32>
        %parallel_loop3A_295 = arith.shrsi %parallel_loop3A_292, %parallel_loop3A_294 : vector<16xi32>
        %parallel_loop3A_296 = arith.constant 127 : i32
        %parallel_loop3A_297 = vector.broadcast %parallel_loop3A_296 : i32 to vector<16xi32>
        %parallel_loop3A_298 = arith.andi %parallel_loop3A_292, %parallel_loop3A_297 : vector<16xi32>
        %parallel_loop3A_299 = tpu.vector_load_idx %arg5[%parallel_loop3A_295, %parallel_loop3A_298] : memref<384x128xf32, #tpu.memory_space<vmem>>[vector<16xi32>, vector<16xi32>], vector<16xf32>,
        %parallel_loop3A_300 = arith.constant 2 : i32
        %parallel_loop3A_301 = vector.broadcast %parallel_loop3A_300 : i32 to vector<16xi32>
        %parallel_loop3A_302 = arith.addi %parallel_loop3A_282, %parallel_loop3A_301 : vector<16xi32>
        %parallel_loop3A_303 = arith.constant 7 : i32
        %parallel_loop3A_304 = vector.broadcast %parallel_loop3A_303 : i32 to vector<16xi32>
        %parallel_loop3A_305 = arith.shrsi %parallel_loop3A_302, %parallel_loop3A_304 : vector<16xi32>
        %parallel_loop3A_306 = arith.constant 127 : i32
        %parallel_loop3A_307 = vector.broadcast %parallel_loop3A_306 : i32 to vector<16xi32>
        %parallel_loop3A_308 = arith.andi %parallel_loop3A_302, %parallel_loop3A_307 : vector<16xi32>
        %parallel_loop3A_309 = tpu.vector_load_idx %arg5[%parallel_loop3A_305, %parallel_loop3A_308] : memref<384x128xf32, #tpu.memory_space<vmem>>[vector<16xi32>, vector<16xi32>], vector<16xf32>,
        %parallel_loop3A_310 = arith.subf %parallel_loop3A_289, %broadcast_in_dim3A_98 : vector<16xf32>
        %parallel_loop3A_311 = arith.subf %parallel_loop3A_299, %broadcast_in_dim3A_101 : vector<16xf32>
        %parallel_loop3A_312 = arith.subf %parallel_loop3A_309, %broadcast_in_dim3A_104 : vector<16xf32>
        %parallel_loop3A_313 = arith.mulf %parallel_loop3A_310, %parallel_loop3A_310 : vector<16xf32>
        %parallel_loop3A_314 = arith.mulf %parallel_loop3A_311, %parallel_loop3A_311 : vector<16xf32>
        %parallel_loop3A_315 = arith.addf %parallel_loop3A_313, %parallel_loop3A_314 : vector<16xf32>
        %parallel_loop3A_316 = arith.mulf %parallel_loop3A_312, %parallel_loop3A_312 : vector<16xf32>
        %parallel_loop3A_317 = arith.addf %parallel_loop3A_315, %parallel_loop3A_316 : vector<16xf32>
        %parallel_loop3A_318 = arith.constant 16 : i32
        %parallel_loop3A_319 = arith.muli %parallel_loop3A_275, %parallel_loop3A_318 : i32
        %parallel_loop3A_320 = arith.index_cast %parallel_loop3A_319 : i32 to index
        %parallel_loop3A_321 = tpu.vector_load %arg6[%parallel_loop3A_320] {strides = array<i32>} : memref<16384xf32, #tpu.memory_space<vmem>>, vector<16xf32>,
        tpu.vector_store %arg6[%parallel_loop3A_320], %parallel_loop3A_317 {strides = array<i32>} : memref<16384xf32, #tpu.memory_space<vmem>>, vector<16xf32>,
        %parallel_loop3A_322 = vector.bitcast %parallel_loop3A_317 : vector<16xf32> to vector<16xi32>
        %parallel_loop3A_323 = arith.constant 21 : i32
        %parallel_loop3A_324 = vector.broadcast %parallel_loop3A_323 : i32 to vector<16xi32>
        %parallel_loop3A_325 = arith.shrui %parallel_loop3A_322, %parallel_loop3A_324 : vector<16xi32>
        tpu.vector_store_idx %arg7[%parallel_loop3A_325], %broadcast_in_dim3A_1 {add = true} : memref<1024xi32, #tpu.memory_space<vmem>>[vector<16xi32>], vector<16xi32>,
      } {sc.loop_unroll_factor = 4 : i64, sc.parallel_access}
      %dma_wait3A_131 = arith.constant 96 : i32
      %dma_wait3A_132 = arith.constant 0 : i32
      %dma_wait3A_133 = tpu.memref_slice %arg5[%dma_wait3A_131, %dma_wait3A_132] : memref<384x128xf32, #tpu.memory_space<vmem>> -> memref<96x128xf32, #tpu.memory_space<vmem>>
      %dma_wait3A_134 = arith.constant 0 : i32
      %dma_wait3A_135 = arith.constant 0 : i32
      %dma_wait3A_136 = tpu.memref_slice %arg2[%add3A_15, %dma_wait3A_134, %dma_wait3A_135] : memref<128x384x128xf32, #tpu.memory_space<hbm>> -> memref<1x384x128xf32, #tpu.memory_space<hbm>>
      %dma_wait3A_137 = tpu.memref_squeeze %dma_wait3A_136 : memref<1x384x128xf32, #tpu.memory_space<hbm>> -> memref<384x128xf32, #tpu.memory_space<hbm>>
      %dma_wait3A_138 = arith.constant 96 : i32
      %dma_wait3A_139 = arith.constant 0 : i32
      %dma_wait3A_140 = tpu.memref_slice %dma_wait3A_137[%dma_wait3A_138, %dma_wait3A_139] : memref<384x128xf32, #tpu.memory_space<hbm>> -> memref<96x128xf32, #tpu.memory_space<hbm>>
      %dma_wait3A_141 = arith.constant 96 : i32
      %dma_wait3A_142 = arith.constant 0 : i32
      %dma_wait3A_143 = tpu.memref_slice %arg5[%dma_wait3A_141, %dma_wait3A_142] : memref<384x128xf32, #tpu.memory_space<vmem>> -> memref<96x128xf32, #tpu.memory_space<vmem>>
      %dma_wait3A_144 = arith.constant 0 : i32
      %dma_wait3A_145 = arith.constant 0 : i32
      %dma_wait3A_146 = tpu.memref_slice %arg2[%add3A_15, %dma_wait3A_144, %dma_wait3A_145] : memref<128x384x128xf32, #tpu.memory_space<hbm>> -> memref<1x384x128xf32, #tpu.memory_space<hbm>>
      %dma_wait3A_147 = tpu.memref_squeeze %dma_wait3A_146 : memref<1x384x128xf32, #tpu.memory_space<hbm>> -> memref<384x128xf32, #tpu.memory_space<hbm>>
      %dma_wait3A_148 = arith.constant 96 : i32
      %dma_wait3A_149 = arith.constant 0 : i32
      %dma_wait3A_150 = tpu.memref_slice %dma_wait3A_147[%dma_wait3A_148, %dma_wait3A_149] : memref<384x128xf32, #tpu.memory_space<hbm>> -> memref<96x128xf32, #tpu.memory_space<hbm>>
      tpu.wait_dma2 semaphore(%arg18 : memref<!tpu.dma_semaphore, #tpu.memory_space<semaphore_mem>>) src(%dma_wait3A_150 : memref<96x128xf32, #tpu.memory_space<hbm>>) dst(%dma_wait3A_143 : memref<96x128xf32, #tpu.memory_space<vmem>>)
      %parallel_loop3A_151 = arith.constant 256 : i32
      %parallel_loop3A_152 = arith.constant 512 : i32
      %parallel_loop3A_153 = arith.constant 1 : i32
      scf.for %parallel_loop3A_275 = %parallel_loop3A_151 to %parallel_loop3A_152 step %parallel_loop3A_153  : i32 {
        %parallel_loop3A_276 = arith.constant 48 : i32
        %parallel_loop3A_277 = arith.muli %parallel_loop3A_275, %parallel_loop3A_276 : i32
        %parallel_loop3A_278 = arith.constant 3 : i32
        %parallel_loop3A_279 = vector.broadcast %parallel_loop3A_278 : i32 to vector<16xi32>
        %parallel_loop3A_280 = arith.muli %iota3A, %parallel_loop3A_279 : vector<16xi32>
        %parallel_loop3A_281 = vector.broadcast %parallel_loop3A_277 : i32 to vector<16xi32>
        %parallel_loop3A_282 = arith.addi %parallel_loop3A_281, %parallel_loop3A_280 : vector<16xi32>
        %parallel_loop3A_283 = arith.constant 7 : i32
        %parallel_loop3A_284 = vector.broadcast %parallel_loop3A_283 : i32 to vector<16xi32>
        %parallel_loop3A_285 = arith.shrsi %parallel_loop3A_282, %parallel_loop3A_284 : vector<16xi32>
        %parallel_loop3A_286 = arith.constant 127 : i32
        %parallel_loop3A_287 = vector.broadcast %parallel_loop3A_286 : i32 to vector<16xi32>
        %parallel_loop3A_288 = arith.andi %parallel_loop3A_282, %parallel_loop3A_287 : vector<16xi32>
        %parallel_loop3A_289 = tpu.vector_load_idx %arg5[%parallel_loop3A_285, %parallel_loop3A_288] : memref<384x128xf32, #tpu.memory_space<vmem>>[vector<16xi32>, vector<16xi32>], vector<16xf32>,
        %parallel_loop3A_290 = arith.constant 1 : i32
        %parallel_loop3A_291 = vector.broadcast %parallel_loop3A_290 : i32 to vector<16xi32>
        %parallel_loop3A_292 = arith.addi %parallel_loop3A_282, %parallel_loop3A_291 : vector<16xi32>
        %parallel_loop3A_293 = arith.constant 7 : i32
        %parallel_loop3A_294 = vector.broadcast %parallel_loop3A_293 : i32 to vector<16xi32>
        %parallel_loop3A_295 = arith.shrsi %parallel_loop3A_292, %parallel_loop3A_294 : vector<16xi32>
        %parallel_loop3A_296 = arith.constant 127 : i32
        %parallel_loop3A_297 = vector.broadcast %parallel_loop3A_296 : i32 to vector<16xi32>
        %parallel_loop3A_298 = arith.andi %parallel_loop3A_292, %parallel_loop3A_297 : vector<16xi32>
        %parallel_loop3A_299 = tpu.vector_load_idx %arg5[%parallel_loop3A_295, %parallel_loop3A_298] : memref<384x128xf32, #tpu.memory_space<vmem>>[vector<16xi32>, vector<16xi32>], vector<16xf32>,
        %parallel_loop3A_300 = arith.constant 2 : i32
        %parallel_loop3A_301 = vector.broadcast %parallel_loop3A_300 : i32 to vector<16xi32>
        %parallel_loop3A_302 = arith.addi %parallel_loop3A_282, %parallel_loop3A_301 : vector<16xi32>
        %parallel_loop3A_303 = arith.constant 7 : i32
        %parallel_loop3A_304 = vector.broadcast %parallel_loop3A_303 : i32 to vector<16xi32>
        %parallel_loop3A_305 = arith.shrsi %parallel_loop3A_302, %parallel_loop3A_304 : vector<16xi32>
        %parallel_loop3A_306 = arith.constant 127 : i32
        %parallel_loop3A_307 = vector.broadcast %parallel_loop3A_306 : i32 to vector<16xi32>
        %parallel_loop3A_308 = arith.andi %parallel_loop3A_302, %parallel_loop3A_307 : vector<16xi32>
        %parallel_loop3A_309 = tpu.vector_load_idx %arg5[%parallel_loop3A_305, %parallel_loop3A_308] : memref<384x128xf32, #tpu.memory_space<vmem>>[vector<16xi32>, vector<16xi32>], vector<16xf32>,
        %parallel_loop3A_310 = arith.subf %parallel_loop3A_289, %broadcast_in_dim3A_98 : vector<16xf32>
        %parallel_loop3A_311 = arith.subf %parallel_loop3A_299, %broadcast_in_dim3A_101 : vector<16xf32>
        %parallel_loop3A_312 = arith.subf %parallel_loop3A_309, %broadcast_in_dim3A_104 : vector<16xf32>
        %parallel_loop3A_313 = arith.mulf %parallel_loop3A_310, %parallel_loop3A_310 : vector<16xf32>
        %parallel_loop3A_314 = arith.mulf %parallel_loop3A_311, %parallel_loop3A_311 : vector<16xf32>
        %parallel_loop3A_315 = arith.addf %parallel_loop3A_313, %parallel_loop3A_314 : vector<16xf32>
        %parallel_loop3A_316 = arith.mulf %parallel_loop3A_312, %parallel_loop3A_312 : vector<16xf32>
        %parallel_loop3A_317 = arith.addf %parallel_loop3A_315, %parallel_loop3A_316 : vector<16xf32>
        %parallel_loop3A_318 = arith.constant 16 : i32
        %parallel_loop3A_319 = arith.muli %parallel_loop3A_275, %parallel_loop3A_318 : i32
        %parallel_loop3A_320 = arith.index_cast %parallel_loop3A_319 : i32 to index
        %parallel_loop3A_321 = tpu.vector_load %arg6[%parallel_loop3A_320] {strides = array<i32>} : memref<16384xf32, #tpu.memory_space<vmem>>, vector<16xf32>,
        tpu.vector_store %arg6[%parallel_loop3A_320], %parallel_loop3A_317 {strides = array<i32>} : memref<16384xf32, #tpu.memory_space<vmem>>, vector<16xf32>,
        %parallel_loop3A_322 = vector.bitcast %parallel_loop3A_317 : vector<16xf32> to vector<16xi32>
        %parallel_loop3A_323 = arith.constant 21 : i32
        %parallel_loop3A_324 = vector.broadcast %parallel_loop3A_323 : i32 to vector<16xi32>
        %parallel_loop3A_325 = arith.shrui %parallel_loop3A_322, %parallel_loop3A_324 : vector<16xi32>
        tpu.vector_store_idx %arg7[%parallel_loop3A_325], %broadcast_in_dim3A_1 {add = true} : memref<1024xi32, #tpu.memory_space<vmem>>[vector<16xi32>], vector<16xi32>,
      } {sc.loop_unroll_factor = 4 : i64, sc.parallel_access}
      %dma_wait3A_154 = arith.constant 192 : i32
      %dma_wait3A_155 = arith.constant 0 : i32
      %dma_wait3A_156 = tpu.memref_slice %arg5[%dma_wait3A_154, %dma_wait3A_155] : memref<384x128xf32, #tpu.memory_space<vmem>> -> memref<96x128xf32, #tpu.memory_space<vmem>>
      %dma_wait3A_157 = arith.constant 0 : i32
      %dma_wait3A_158 = arith.constant 0 : i32
      %dma_wait3A_159 = tpu.memref_slice %arg2[%add3A_15, %dma_wait3A_157, %dma_wait3A_158] : memref<128x384x128xf32, #tpu.memory_space<hbm>> -> memref<1x384x128xf32, #tpu.memory_space<hbm>>
      %dma_wait3A_160 = tpu.memref_squeeze %dma_wait3A_159 : memref<1x384x128xf32, #tpu.memory_space<hbm>> -> memref<384x128xf32, #tpu.memory_space<hbm>>
      %dma_wait3A_161 = arith.constant 192 : i32
      %dma_wait3A_162 = arith.constant 0 : i32
      %dma_wait3A_163 = tpu.memref_slice %dma_wait3A_160[%dma_wait3A_161, %dma_wait3A_162] : memref<384x128xf32, #tpu.memory_space<hbm>> -> memref<96x128xf32, #tpu.memory_space<hbm>>
      %dma_wait3A_164 = arith.constant 192 : i32
      %dma_wait3A_165 = arith.constant 0 : i32
      %dma_wait3A_166 = tpu.memref_slice %arg5[%dma_wait3A_164, %dma_wait3A_165] : memref<384x128xf32, #tpu.memory_space<vmem>> -> memref<96x128xf32, #tpu.memory_space<vmem>>
      %dma_wait3A_167 = arith.constant 0 : i32
      %dma_wait3A_168 = arith.constant 0 : i32
      %dma_wait3A_169 = tpu.memref_slice %arg2[%add3A_15, %dma_wait3A_167, %dma_wait3A_168] : memref<128x384x128xf32, #tpu.memory_space<hbm>> -> memref<1x384x128xf32, #tpu.memory_space<hbm>>
      %dma_wait3A_170 = tpu.memref_squeeze %dma_wait3A_169 : memref<1x384x128xf32, #tpu.memory_space<hbm>> -> memref<384x128xf32, #tpu.memory_space<hbm>>
      %dma_wait3A_171 = arith.constant 192 : i32
      %dma_wait3A_172 = arith.constant 0 : i32
      %dma_wait3A_173 = tpu.memref_slice %dma_wait3A_170[%dma_wait3A_171, %dma_wait3A_172] : memref<384x128xf32, #tpu.memory_space<hbm>> -> memref<96x128xf32, #tpu.memory_space<hbm>>
      tpu.wait_dma2 semaphore(%arg19 : memref<!tpu.dma_semaphore, #tpu.memory_space<semaphore_mem>>) src(%dma_wait3A_173 : memref<96x128xf32, #tpu.memory_space<hbm>>) dst(%dma_wait3A_166 : memref<96x128xf32, #tpu.memory_space<vmem>>)
      %parallel_loop3A_174 = arith.constant 512 : i32
      %parallel_loop3A_175 = arith.constant 768 : i32
      %parallel_loop3A_176 = arith.constant 1 : i32
      scf.for %parallel_loop3A_275 = %parallel_loop3A_174 to %parallel_loop3A_175 step %parallel_loop3A_176  : i32 {
        %parallel_loop3A_276 = arith.constant 48 : i32
        %parallel_loop3A_277 = arith.muli %parallel_loop3A_275, %parallel_loop3A_276 : i32
        %parallel_loop3A_278 = arith.constant 3 : i32
        %parallel_loop3A_279 = vector.broadcast %parallel_loop3A_278 : i32 to vector<16xi32>
        %parallel_loop3A_280 = arith.muli %iota3A, %parallel_loop3A_279 : vector<16xi32>
        %parallel_loop3A_281 = vector.broadcast %parallel_loop3A_277 : i32 to vector<16xi32>
        %parallel_loop3A_282 = arith.addi %parallel_loop3A_281, %parallel_loop3A_280 : vector<16xi32>
        %parallel_loop3A_283 = arith.constant 7 : i32
        %parallel_loop3A_284 = vector.broadcast %parallel_loop3A_283 : i32 to vector<16xi32>
        %parallel_loop3A_285 = arith.shrsi %parallel_loop3A_282, %parallel_loop3A_284 : vector<16xi32>
        %parallel_loop3A_286 = arith.constant 127 : i32
        %parallel_loop3A_287 = vector.broadcast %parallel_loop3A_286 : i32 to vector<16xi32>
        %parallel_loop3A_288 = arith.andi %parallel_loop3A_282, %parallel_loop3A_287 : vector<16xi32>
        %parallel_loop3A_289 = tpu.vector_load_idx %arg5[%parallel_loop3A_285, %parallel_loop3A_288] : memref<384x128xf32, #tpu.memory_space<vmem>>[vector<16xi32>, vector<16xi32>], vector<16xf32>,
        %parallel_loop3A_290 = arith.constant 1 : i32
        %parallel_loop3A_291 = vector.broadcast %parallel_loop3A_290 : i32 to vector<16xi32>
        %parallel_loop3A_292 = arith.addi %parallel_loop3A_282, %parallel_loop3A_291 : vector<16xi32>
        %parallel_loop3A_293 = arith.constant 7 : i32
        %parallel_loop3A_294 = vector.broadcast %parallel_loop3A_293 : i32 to vector<16xi32>
        %parallel_loop3A_295 = arith.shrsi %parallel_loop3A_292, %parallel_loop3A_294 : vector<16xi32>
        %parallel_loop3A_296 = arith.constant 127 : i32
        %parallel_loop3A_297 = vector.broadcast %parallel_loop3A_296 : i32 to vector<16xi32>
        %parallel_loop3A_298 = arith.andi %parallel_loop3A_292, %parallel_loop3A_297 : vector<16xi32>
        %parallel_loop3A_299 = tpu.vector_load_idx %arg5[%parallel_loop3A_295, %parallel_loop3A_298] : memref<384x128xf32, #tpu.memory_space<vmem>>[vector<16xi32>, vector<16xi32>], vector<16xf32>,
        %parallel_loop3A_300 = arith.constant 2 : i32
        %parallel_loop3A_301 = vector.broadcast %parallel_loop3A_300 : i32 to vector<16xi32>
        %parallel_loop3A_302 = arith.addi %parallel_loop3A_282, %parallel_loop3A_301 : vector<16xi32>
        %parallel_loop3A_303 = arith.constant 7 : i32
        %parallel_loop3A_304 = vector.broadcast %parallel_loop3A_303 : i32 to vector<16xi32>
        %parallel_loop3A_305 = arith.shrsi %parallel_loop3A_302, %parallel_loop3A_304 : vector<16xi32>
        %parallel_loop3A_306 = arith.constant 127 : i32
        %parallel_loop3A_307 = vector.broadcast %parallel_loop3A_306 : i32 to vector<16xi32>
        %parallel_loop3A_308 = arith.andi %parallel_loop3A_302, %parallel_loop3A_307 : vector<16xi32>
        %parallel_loop3A_309 = tpu.vector_load_idx %arg5[%parallel_loop3A_305, %parallel_loop3A_308] : memref<384x128xf32, #tpu.memory_space<vmem>>[vector<16xi32>, vector<16xi32>], vector<16xf32>,
        %parallel_loop3A_310 = arith.subf %parallel_loop3A_289, %broadcast_in_dim3A_98 : vector<16xf32>
        %parallel_loop3A_311 = arith.subf %parallel_loop3A_299, %broadcast_in_dim3A_101 : vector<16xf32>
        %parallel_loop3A_312 = arith.subf %parallel_loop3A_309, %broadcast_in_dim3A_104 : vector<16xf32>
        %parallel_loop3A_313 = arith.mulf %parallel_loop3A_310, %parallel_loop3A_310 : vector<16xf32>
        %parallel_loop3A_314 = arith.mulf %parallel_loop3A_311, %parallel_loop3A_311 : vector<16xf32>
        %parallel_loop3A_315 = arith.addf %parallel_loop3A_313, %parallel_loop3A_314 : vector<16xf32>
        %parallel_loop3A_316 = arith.mulf %parallel_loop3A_312, %parallel_loop3A_312 : vector<16xf32>
        %parallel_loop3A_317 = arith.addf %parallel_loop3A_315, %parallel_loop3A_316 : vector<16xf32>
        %parallel_loop3A_318 = arith.constant 16 : i32
        %parallel_loop3A_319 = arith.muli %parallel_loop3A_275, %parallel_loop3A_318 : i32
        %parallel_loop3A_320 = arith.index_cast %parallel_loop3A_319 : i32 to index
        %parallel_loop3A_321 = tpu.vector_load %arg6[%parallel_loop3A_320] {strides = array<i32>} : memref<16384xf32, #tpu.memory_space<vmem>>, vector<16xf32>,
        tpu.vector_store %arg6[%parallel_loop3A_320], %parallel_loop3A_317 {strides = array<i32>} : memref<16384xf32, #tpu.memory_space<vmem>>, vector<16xf32>,
        %parallel_loop3A_322 = vector.bitcast %parallel_loop3A_317 : vector<16xf32> to vector<16xi32>
        %parallel_loop3A_323 = arith.constant 21 : i32
        %parallel_loop3A_324 = vector.broadcast %parallel_loop3A_323 : i32 to vector<16xi32>
        %parallel_loop3A_325 = arith.shrui %parallel_loop3A_322, %parallel_loop3A_324 : vector<16xi32>
        tpu.vector_store_idx %arg7[%parallel_loop3A_325], %broadcast_in_dim3A_1 {add = true} : memref<1024xi32, #tpu.memory_space<vmem>>[vector<16xi32>], vector<16xi32>,
      } {sc.loop_unroll_factor = 4 : i64, sc.parallel_access}
      %dma_wait3A_177 = arith.constant 288 : i32
      %dma_wait3A_178 = arith.constant 0 : i32
      %dma_wait3A_179 = tpu.memref_slice %arg5[%dma_wait3A_177, %dma_wait3A_178] : memref<384x128xf32, #tpu.memory_space<vmem>> -> memref<96x128xf32, #tpu.memory_space<vmem>>
      %dma_wait3A_180 = arith.constant 0 : i32
      %dma_wait3A_181 = arith.constant 0 : i32
      %dma_wait3A_182 = tpu.memref_slice %arg2[%add3A_15, %dma_wait3A_180, %dma_wait3A_181] : memref<128x384x128xf32, #tpu.memory_space<hbm>> -> memref<1x384x128xf32, #tpu.memory_space<hbm>>
      %dma_wait3A_183 = tpu.memref_squeeze %dma_wait3A_182 : memref<1x384x128xf32, #tpu.memory_space<hbm>> -> memref<384x128xf32, #tpu.memory_space<hbm>>
      %dma_wait3A_184 = arith.constant 288 : i32
      %dma_wait3A_185 = arith.constant 0 : i32
      %dma_wait3A_186 = tpu.memref_slice %dma_wait3A_183[%dma_wait3A_184, %dma_wait3A_185] : memref<384x128xf32, #tpu.memory_space<hbm>> -> memref<96x128xf32, #tpu.memory_space<hbm>>
      %dma_wait3A_187 = arith.constant 288 : i32
      %dma_wait3A_188 = arith.constant 0 : i32
      %dma_wait3A_189 = tpu.memref_slice %arg5[%dma_wait3A_187, %dma_wait3A_188] : memref<384x128xf32, #tpu.memory_space<vmem>> -> memref<96x128xf32, #tpu.memory_space<vmem>>
      %dma_wait3A_190 = arith.constant 0 : i32
      %dma_wait3A_191 = arith.constant 0 : i32
      %dma_wait3A_192 = tpu.memref_slice %arg2[%add3A_15, %dma_wait3A_190, %dma_wait3A_191] : memref<128x384x128xf32, #tpu.memory_space<hbm>> -> memref<1x384x128xf32, #tpu.memory_space<hbm>>
      %dma_wait3A_193 = tpu.memref_squeeze %dma_wait3A_192 : memref<1x384x128xf32, #tpu.memory_space<hbm>> -> memref<384x128xf32, #tpu.memory_space<hbm>>
      %dma_wait3A_194 = arith.constant 288 : i32
      %dma_wait3A_195 = arith.constant 0 : i32
      %dma_wait3A_196 = tpu.memref_slice %dma_wait3A_193[%dma_wait3A_194, %dma_wait3A_195] : memref<384x128xf32, #tpu.memory_space<hbm>> -> memref<96x128xf32, #tpu.memory_space<hbm>>
      tpu.wait_dma2 semaphore(%arg20 : memref<!tpu.dma_semaphore, #tpu.memory_space<semaphore_mem>>) src(%dma_wait3A_196 : memref<96x128xf32, #tpu.memory_space<hbm>>) dst(%dma_wait3A_189 : memref<96x128xf32, #tpu.memory_space<vmem>>)
      %parallel_loop3A_197 = arith.constant 768 : i32
      %parallel_loop3A_198 = arith.constant 1024 : i32
      %parallel_loop3A_199 = arith.constant 1 : i32
      scf.for %parallel_loop3A_275 = %parallel_loop3A_197 to %parallel_loop3A_198 step %parallel_loop3A_199  : i32 {
        %parallel_loop3A_276 = arith.constant 48 : i32
        %parallel_loop3A_277 = arith.muli %parallel_loop3A_275, %parallel_loop3A_276 : i32
        %parallel_loop3A_278 = arith.constant 3 : i32
        %parallel_loop3A_279 = vector.broadcast %parallel_loop3A_278 : i32 to vector<16xi32>
        %parallel_loop3A_280 = arith.muli %iota3A, %parallel_loop3A_279 : vector<16xi32>
        %parallel_loop3A_281 = vector.broadcast %parallel_loop3A_277 : i32 to vector<16xi32>
        %parallel_loop3A_282 = arith.addi %parallel_loop3A_281, %parallel_loop3A_280 : vector<16xi32>
        %parallel_loop3A_283 = arith.constant 7 : i32
        %parallel_loop3A_284 = vector.broadcast %parallel_loop3A_283 : i32 to vector<16xi32>
        %parallel_loop3A_285 = arith.shrsi %parallel_loop3A_282, %parallel_loop3A_284 : vector<16xi32>
        %parallel_loop3A_286 = arith.constant 127 : i32
        %parallel_loop3A_287 = vector.broadcast %parallel_loop3A_286 : i32 to vector<16xi32>
        %parallel_loop3A_288 = arith.andi %parallel_loop3A_282, %parallel_loop3A_287 : vector<16xi32>
        %parallel_loop3A_289 = tpu.vector_load_idx %arg5[%parallel_loop3A_285, %parallel_loop3A_288] : memref<384x128xf32, #tpu.memory_space<vmem>>[vector<16xi32>, vector<16xi32>], vector<16xf32>,
        %parallel_loop3A_290 = arith.constant 1 : i32
        %parallel_loop3A_291 = vector.broadcast %parallel_loop3A_290 : i32 to vector<16xi32>
        %parallel_loop3A_292 = arith.addi %parallel_loop3A_282, %parallel_loop3A_291 : vector<16xi32>
        %parallel_loop3A_293 = arith.constant 7 : i32
        %parallel_loop3A_294 = vector.broadcast %parallel_loop3A_293 : i32 to vector<16xi32>
        %parallel_loop3A_295 = arith.shrsi %parallel_loop3A_292, %parallel_loop3A_294 : vector<16xi32>
        %parallel_loop3A_296 = arith.constant 127 : i32
        %parallel_loop3A_297 = vector.broadcast %parallel_loop3A_296 : i32 to vector<16xi32>
        %parallel_loop3A_298 = arith.andi %parallel_loop3A_292, %parallel_loop3A_297 : vector<16xi32>
        %parallel_loop3A_299 = tpu.vector_load_idx %arg5[%parallel_loop3A_295, %parallel_loop3A_298] : memref<384x128xf32, #tpu.memory_space<vmem>>[vector<16xi32>, vector<16xi32>], vector<16xf32>,
        %parallel_loop3A_300 = arith.constant 2 : i32
        %parallel_loop3A_301 = vector.broadcast %parallel_loop3A_300 : i32 to vector<16xi32>
        %parallel_loop3A_302 = arith.addi %parallel_loop3A_282, %parallel_loop3A_301 : vector<16xi32>
        %parallel_loop3A_303 = arith.constant 7 : i32
        %parallel_loop3A_304 = vector.broadcast %parallel_loop3A_303 : i32 to vector<16xi32>
        %parallel_loop3A_305 = arith.shrsi %parallel_loop3A_302, %parallel_loop3A_304 : vector<16xi32>
        %parallel_loop3A_306 = arith.constant 127 : i32
        %parallel_loop3A_307 = vector.broadcast %parallel_loop3A_306 : i32 to vector<16xi32>
        %parallel_loop3A_308 = arith.andi %parallel_loop3A_302, %parallel_loop3A_307 : vector<16xi32>
        %parallel_loop3A_309 = tpu.vector_load_idx %arg5[%parallel_loop3A_305, %parallel_loop3A_308] : memref<384x128xf32, #tpu.memory_space<vmem>>[vector<16xi32>, vector<16xi32>], vector<16xf32>,
        %parallel_loop3A_310 = arith.subf %parallel_loop3A_289, %broadcast_in_dim3A_98 : vector<16xf32>
        %parallel_loop3A_311 = arith.subf %parallel_loop3A_299, %broadcast_in_dim3A_101 : vector<16xf32>
        %parallel_loop3A_312 = arith.subf %parallel_loop3A_309, %broadcast_in_dim3A_104 : vector<16xf32>
        %parallel_loop3A_313 = arith.mulf %parallel_loop3A_310, %parallel_loop3A_310 : vector<16xf32>
        %parallel_loop3A_314 = arith.mulf %parallel_loop3A_311, %parallel_loop3A_311 : vector<16xf32>
        %parallel_loop3A_315 = arith.addf %parallel_loop3A_313, %parallel_loop3A_314 : vector<16xf32>
        %parallel_loop3A_316 = arith.mulf %parallel_loop3A_312, %parallel_loop3A_312 : vector<16xf32>
        %parallel_loop3A_317 = arith.addf %parallel_loop3A_315, %parallel_loop3A_316 : vector<16xf32>
        %parallel_loop3A_318 = arith.constant 16 : i32
        %parallel_loop3A_319 = arith.muli %parallel_loop3A_275, %parallel_loop3A_318 : i32
        %parallel_loop3A_320 = arith.index_cast %parallel_loop3A_319 : i32 to index
        %parallel_loop3A_321 = tpu.vector_load %arg6[%parallel_loop3A_320] {strides = array<i32>} : memref<16384xf32, #tpu.memory_space<vmem>>, vector<16xf32>,
        tpu.vector_store %arg6[%parallel_loop3A_320], %parallel_loop3A_317 {strides = array<i32>} : memref<16384xf32, #tpu.memory_space<vmem>>, vector<16xf32>,
        %parallel_loop3A_322 = vector.bitcast %parallel_loop3A_317 : vector<16xf32> to vector<16xi32>
        %parallel_loop3A_323 = arith.constant 21 : i32
        %parallel_loop3A_324 = vector.broadcast %parallel_loop3A_323 : i32 to vector<16xi32>
        %parallel_loop3A_325 = arith.shrui %parallel_loop3A_322, %parallel_loop3A_324 : vector<16xi32>
        tpu.vector_store_idx %arg7[%parallel_loop3A_325], %broadcast_in_dim3A_1 {add = true} : memref<1024xi32, #tpu.memory_space<vmem>>[vector<16xi32>], vector<16xi32>,
      } {sc.loop_unroll_factor = 4 : i64, sc.parallel_access}
      %scan3A_200 = arith.constant 0 : i32
      %scan3A_201 = arith.constant 0 : i32
      %scan3A_202 = arith.constant 64 : i32
      %scan3A_203 = arith.addi %scan3A_201, %scan3A_202 : i32
      %scan3A_204 = arith.constant 1 : i32
      %scan3A_205:3 = scf.for %scan3A_275 = %scan3A_201 to %scan3A_203 step %scan3A_204 iter_args(%scan3A_276 = %scan3A_200, %scan3A_277 = %broadcast_in_dim3A_3, %scan3A_278 = %broadcast_in_dim3A_3) -> (i32, vector<16xi32>, vector<16xi32>)  : i32 {
        %mul3A_279 = arith.constant 16 : i32
        %mul3A_280 = arith.muli %scan3A_275, %mul3A_279 : i32
        %get3A_281 = arith.index_cast %mul3A_280 : i32 to index
        %get3A_282 = tpu.vector_load %arg7[%get3A_281] {strides = array<i32>} : memref<1024xi32, #tpu.memory_space<vmem>>, vector<16xi32>,
        %broadcast_in_dim3A_283 = arith.constant true
        %broadcast_in_dim3A_284 = vector.broadcast %broadcast_in_dim3A_283 : i1 to vector<16xi1>
        %masked_cumsum3A = tpu.scan <sum>, %get3A_282 masked %broadcast_in_dim3A_284 : vector<16xi32>, vector<16xi1> -> vector<16xi32>
        %add3A_285 = vector.broadcast %scan3A_276 : i32 to vector<16xi32>
        %add3A_286 = arith.addi %masked_cumsum3A, %add3A_285 : vector<16xi32>
        %lt3A = arith.constant 128 : i32
        %lt3A_287 = vector.broadcast %lt3A : i32 to vector<16xi32>
        %lt3A_288 = arith.cmpi slt, %add3A_286, %lt3A_287 : vector<16xi32>
        %all_reduce_population_count3A = tpu.all_reduce %lt3A_288 {dim = 0 : i64, kind = #tpu.reduction_kind<sum>} : vector<16xi1> -> vector<16xi32>
        %add3A_289 = arith.addi %scan3A_277, %all_reduce_population_count3A : vector<16xi32>
        %jit3A_290 = arith.constant 0 : i32
        %broadcast_in_dim3A_291 = vector.broadcast %jit3A_290 : i32 to vector<16xi32>
        %select_n3A_292 = arith.select %lt3A_288, %add3A_286, %broadcast_in_dim3A_291 : vector<16xi1>, vector<16xi32>
        %max3A = arith.maxsi %scan3A_278, %select_n3A_292 : vector<16xi32>
        %slice3A_293 = vector.extract_strided_slice %add3A_286 {offsets = [15], sizes = [1], strides = [1]} : vector<16xi32> to vector<1xi32>
        %squeeze3A_294 = vector.extract %slice3A_293[0] : i32 from vector<1xi32>
        scf.yield %squeeze3A_294, %add3A_289, %max3A : i32, vector<16xi32>, vector<16xi32>
      }
      %scan3A_206 = arith.constant 64 : i32
      %slice3A_207 = vector.extract_strided_slice %scan3A_205#1 {offsets = [0], sizes = [1], strides = [1]} : vector<16xi32> to vector<1xi32>
      %squeeze3A_208 = vector.extract %slice3A_207[0] : i32 from vector<1xi32>
      %broadcast_in_dim3A_209 = vector.broadcast %squeeze3A_208 : i32 to vector<16xi32>
      %parallel_loop3A_210 = arith.constant 0 : i32
      %parallel_loop3A_211 = arith.constant 1024 : i32
      %parallel_loop3A_212 = arith.constant 1 : i32
      scf.for %parallel_loop3A_275 = %parallel_loop3A_210 to %parallel_loop3A_211 step %parallel_loop3A_212  : i32 {
        %parallel_loop3A_276 = arith.constant 16 : i32
        %parallel_loop3A_277 = arith.muli %parallel_loop3A_275, %parallel_loop3A_276 : i32
        %parallel_loop3A_278 = arith.index_cast %parallel_loop3A_277 : i32 to index
        %parallel_loop3A_279 = tpu.vector_load %arg6[%parallel_loop3A_278] {strides = array<i32>} : memref<16384xf32, #tpu.memory_space<vmem>>, vector<16xf32>,
        %parallel_loop3A_280 = vector.bitcast %parallel_loop3A_279 : vector<16xf32> to vector<16xi32>
        %parallel_loop3A_281 = arith.constant 21 : i32
        %parallel_loop3A_282 = vector.broadcast %parallel_loop3A_281 : i32 to vector<16xi32>
        %parallel_loop3A_283 = arith.shrui %parallel_loop3A_280, %parallel_loop3A_282 : vector<16xi32>
        %parallel_loop3A_284 = arith.cmpi sle, %parallel_loop3A_283, %broadcast_in_dim3A_209 : vector<16xi32>
        %parallel_loop3A_285 = arith.constant 16 : i32
        %parallel_loop3A_286 = arith.muli %parallel_loop3A_275, %parallel_loop3A_285 : i32
        %parallel_loop3A_287 = arith.index_cast %parallel_loop3A_286 : i32 to index
        %parallel_loop3A_288 = tpu.vector_load %arg8[%parallel_loop3A_287] masked %parallel_loop3A_284 {strides = array<i32>} : memref<16400xf32, #tpu.memory_space<vmem>>, vector<16xf32>, vector<16xi1>
        tpu.vector_store %arg8[%parallel_loop3A_287], %parallel_loop3A_279 masked %parallel_loop3A_284 {strides = array<i32>} : memref<16400xf32, #tpu.memory_space<vmem>>, vector<16xf32>, vector<16xi1>
        %parallel_loop3A_289 = arith.constant 16 : i32
        %parallel_loop3A_290 = arith.muli %parallel_loop3A_275, %parallel_loop3A_289 : i32
        %parallel_loop3A_291 = arith.constant 16 : i32
        %parallel_loop3A_292 = arith.muli %parallel_loop3A_275, %parallel_loop3A_291 : i32
        %parallel_loop3A_293 = vector.broadcast %parallel_loop3A_292 : i32 to vector<16xi32>
        %parallel_loop3A_294 = arith.addi %parallel_loop3A_293, %iota3A : vector<16xi32>
        %parallel_loop3A_295 = arith.index_cast %parallel_loop3A_290 : i32 to index
        %parallel_loop3A_296 = tpu.vector_load %arg9[%parallel_loop3A_295] masked %parallel_loop3A_284 {strides = array<i32>} : memref<16400xi32, #tpu.memory_space<vmem>>, vector<16xi32>, vector<16xi1>
        tpu.vector_store %arg9[%parallel_loop3A_295], %parallel_loop3A_294 masked %parallel_loop3A_284 {strides = array<i32>} : memref<16400xi32, #tpu.memory_space<vmem>>, vector<16xi32>, vector<16xi1>
        %parallel_loop3A_297 = tpu.all_reduce %parallel_loop3A_284 {dim = 0 : i64, kind = #tpu.reduction_kind<sum>} : vector<16xi1> -> vector<16xi32>
        %parallel_loop3A_298 = vector.broadcast %parallel_loop3A_275 : i32 to vector<16xi32>
        %parallel_loop3A_299 = arith.constant 0 : i32
        %parallel_loop3A_300 = vector.broadcast %parallel_loop3A_299 : i32 to vector<16xi32>
        %parallel_loop3A_301 = arith.cmpi eq, %iota3A, %parallel_loop3A_300 : vector<16xi32>
        tpu.vector_store_idx %arg14[%parallel_loop3A_298], %parallel_loop3A_297 masked %parallel_loop3A_301 : memref<1024xi32, #tpu.memory_space<vmem>>[vector<16xi32>], vector<16xi32>, vector<16xi1>
      } {sc.loop_unroll_factor = 4 : i64, sc.parallel_access}
      %scan3A_213 = arith.constant 0 : i32
      %scan3A_214 = arith.constant 0 : i32
      %scan3A_215 = arith.constant 64 : i32
      %scan3A_216 = arith.addi %scan3A_214, %scan3A_215 : i32
      %scan3A_217 = arith.constant 1 : i32
      %scan3A_218:2 = scf.for %scan3A_275 = %scan3A_214 to %scan3A_216 step %scan3A_217 iter_args(%scan3A_276 = %scan3A_213, %scan3A_277 = %broadcast_in_dim3A_3) -> (i32, vector<16xi32>)  : i32 {
        %mul3A_278 = arith.constant 16 : i32
        %mul3A_279 = arith.muli %scan3A_275, %mul3A_278 : i32
        %get3A_280 = arith.index_cast %mul3A_279 : i32 to index
        %get3A_281 = tpu.vector_load %arg14[%get3A_280] {strides = array<i32>} : memref<1024xi32, #tpu.memory_space<vmem>>, vector<16xi32>,
        %broadcast_in_dim3A_282 = arith.constant true
        %broadcast_in_dim3A_283 = vector.broadcast %broadcast_in_dim3A_282 : i1 to vector<16xi1>
        %masked_cumsum3A = tpu.scan <sum>, %get3A_281 masked %broadcast_in_dim3A_283 : vector<16xi32>, vector<16xi1> -> vector<16xi32>
        %add3A_284 = vector.broadcast %scan3A_276 : i32 to vector<16xi32>
        %add3A_285 = arith.addi %masked_cumsum3A, %add3A_284 : vector<16xi32>
        %sub3A_286 = arith.subi %add3A_285, %get3A_281 : vector<16xi32>
        %gt3A = arith.constant 0 : i32
        %gt3A_287 = vector.broadcast %gt3A : i32 to vector<16xi32>
        %gt3A_288 = arith.cmpi sgt, %get3A_281, %gt3A_287 : vector<16xi32>
        %slice3A_289 = vector.extract_strided_slice %scan3A_277 {offsets = [0], sizes = [1], strides = [1]} : vector<16xi32> to vector<1xi32>
        %squeeze3A_290 = vector.extract %slice3A_289[0] : i32 from vector<1xi32>
        %mul3A_291 = arith.constant 16 : i32
        %mul3A_292 = arith.muli %scan3A_275, %mul3A_291 : i32
        %add3A_293 = vector.broadcast %mul3A_292 : i32 to vector<16xi32>
        %add3A_294 = arith.addi %add3A_293, %iota3A : vector<16xi32>
        %swap3A_295 = arith.index_cast %squeeze3A_290 : i32 to index
        %swap3A_296 = tpu.vector_load %arg15[%swap3A_295] masked %gt3A_288 {strides = array<i32>} : memref<1040xi32, #tpu.memory_space<vmem>>, vector<16xi32>, vector<16xi1>
        tpu.vector_store %arg15[%swap3A_295], %add3A_294 masked %gt3A_288 {strides = array<i32>} : memref<1040xi32, #tpu.memory_space<vmem>>, vector<16xi32>, vector<16xi1>
        %swap3A_297 = arith.index_cast %squeeze3A_290 : i32 to index
        %swap3A_298 = tpu.vector_load %arg16[%swap3A_297] masked %gt3A_288 {strides = array<i32>} : memref<1040xi32, #tpu.memory_space<vmem>>, vector<16xi32>, vector<16xi1>
        tpu.vector_store %arg16[%swap3A_297], %sub3A_286 masked %gt3A_288 {strides = array<i32>} : memref<1040xi32, #tpu.memory_space<vmem>>, vector<16xi32>, vector<16xi1>
        %all_reduce_population_count3A = tpu.all_reduce %gt3A_288 {dim = 0 : i64, kind = #tpu.reduction_kind<sum>} : vector<16xi1> -> vector<16xi32>
        %add3A_299 = arith.addi %scan3A_277, %all_reduce_population_count3A : vector<16xi32>
        %slice3A_300 = vector.extract_strided_slice %add3A_285 {offsets = [15], sizes = [1], strides = [1]} : vector<16xi32> to vector<1xi32>
        %squeeze3A_301 = vector.extract %slice3A_300[0] : i32 from vector<1xi32>
        scf.yield %squeeze3A_301, %add3A_299 : i32, vector<16xi32>
      }
      %scan3A_219 = arith.constant 64 : i32
      %slice3A_220 = vector.extract_strided_slice %scan3A_218#1 {offsets = [0], sizes = [1], strides = [1]} : vector<16xi32> to vector<1xi32>
      %squeeze3A_221 = vector.extract %slice3A_220[0] : i32 from vector<1xi32>
      %sub3A = arith.constant 0 : i32
      %sub3A_222 = arith.subi %squeeze3A_221, %sub3A : i32
      %sub3A_223 = arith.constant 1 : i32
      %sub3A_224 = arith.constant 1 : i32
      %sub3A_225 = arith.subi %sub3A_223, %sub3A_224 : i32
      %add3A_226 = arith.addi %sub3A_222, %sub3A_225 : i32
      %div3A = arith.constant 1 : i32
      %div3A_227 = arith.divsi %add3A_226, %div3A : i32
      %while3A = arith.constant 1 : i32
      %while3A_228 = arith.constant 0 : i32
      %while3A_229 = arith.constant 0 : i32
      %while3A_230 = arith.subi %div3A_227, %while3A_229 : i32
      %while3A_231 = arith.addi %while3A_229, %while3A_230 : i32
      %while3A_232 = arith.constant 1 : i32
      %while3A_233 = arith.divsi %while3A_230, %while3A_232 : i32
      %while3A_234 = arith.muli %while3A_233, %while3A_232 : i32
      %while3A_235 = arith.addi %while3A_229, %while3A_234 : i32
      %while3A_236 = arith.constant 1 : i32
      scf.for %while3A_275 = %while3A_229 to %while3A_235 step %while3A_236  : i32 {
        %mul3A_276 = arith.muli %while3A_275, %while3A : i32
        %add3A_277 = arith.addi %while3A_228, %mul3A_276 : i32
        %get3A_278 = arith.index_cast %add3A_277 : i32 to index
        %get3A_279 = tpu.vector_load %arg15[%get3A_278] {strides = array<i32>} : memref<1040xi32, #tpu.memory_space<vmem>>, vector<16xi32>,
        %slice3A_280 = vector.extract_strided_slice %get3A_279 {offsets = [0], sizes = [1], strides = [1]} : vector<16xi32> to vector<1xi32>
        %squeeze3A_281 = vector.extract %slice3A_280[0] : i32 from vector<1xi32>
        %get3A_282 = arith.index_cast %add3A_277 : i32 to index
        %get3A_283 = tpu.vector_load %arg16[%get3A_282] {strides = array<i32>} : memref<1040xi32, #tpu.memory_space<vmem>>, vector<16xi32>,
        %slice3A_284 = vector.extract_strided_slice %get3A_283 {offsets = [0], sizes = [1], strides = [1]} : vector<16xi32> to vector<1xi32>
        %squeeze3A_285 = vector.extract %slice3A_284[0] : i32 from vector<1xi32>
        %mul3A_286 = arith.constant 16 : i32
        %mul3A_287 = arith.muli %squeeze3A_281, %mul3A_286 : i32
        %get3A_288 = arith.index_cast %mul3A_287 : i32 to index
        %get3A_289 = tpu.vector_load %arg8[%get3A_288] {strides = array<i32>} : memref<16400xf32, #tpu.memory_space<vmem>>, vector<16xf32>,
        %mul3A_290 = arith.constant 16 : i32
        %mul3A_291 = arith.muli %squeeze3A_281, %mul3A_290 : i32
        %get3A_292 = arith.index_cast %mul3A_291 : i32 to index
        %get3A_293 = tpu.vector_load %arg9[%get3A_292] {strides = array<i32>} : memref<16400xi32, #tpu.memory_space<vmem>>, vector<16xi32>,
        %swap3A_294 = arith.index_cast %squeeze3A_285 : i32 to index
        %swap3A_295 = tpu.vector_load %arg8[%swap3A_294] {strides = array<i32>} : memref<16400xf32, #tpu.memory_space<vmem>>, vector<16xf32>,
        tpu.vector_store %arg8[%swap3A_294], %get3A_289 {strides = array<i32>} : memref<16400xf32, #tpu.memory_space<vmem>>, vector<16xf32>,
        %swap3A_296 = arith.index_cast %squeeze3A_285 : i32 to index
        %swap3A_297 = tpu.vector_load %arg9[%swap3A_296] {strides = array<i32>} : memref<16400xi32, #tpu.memory_space<vmem>>, vector<16xi32>,
        tpu.vector_store %arg9[%swap3A_296], %get3A_293 {strides = array<i32>} : memref<16400xi32, #tpu.memory_space<vmem>>, vector<16xi32>,
      }
      %while3A_237 = arith.constant 1 : i32
      scf.for %while3A_275 = %while3A_235 to %while3A_231 step %while3A_237  : i32 {
        %mul3A_276 = arith.muli %while3A_275, %while3A : i32
        %add3A_277 = arith.addi %while3A_228, %mul3A_276 : i32
        %get3A_278 = arith.index_cast %add3A_277 : i32 to index
        %get3A_279 = tpu.vector_load %arg15[%get3A_278] {strides = array<i32>} : memref<1040xi32, #tpu.memory_space<vmem>>, vector<16xi32>,
        %slice3A_280 = vector.extract_strided_slice %get3A_279 {offsets = [0], sizes = [1], strides = [1]} : vector<16xi32> to vector<1xi32>
        %squeeze3A_281 = vector.extract %slice3A_280[0] : i32 from vector<1xi32>
        %get3A_282 = arith.index_cast %add3A_277 : i32 to index
        %get3A_283 = tpu.vector_load %arg16[%get3A_282] {strides = array<i32>} : memref<1040xi32, #tpu.memory_space<vmem>>, vector<16xi32>,
        %slice3A_284 = vector.extract_strided_slice %get3A_283 {offsets = [0], sizes = [1], strides = [1]} : vector<16xi32> to vector<1xi32>
        %squeeze3A_285 = vector.extract %slice3A_284[0] : i32 from vector<1xi32>
        %mul3A_286 = arith.constant 16 : i32
        %mul3A_287 = arith.muli %squeeze3A_281, %mul3A_286 : i32
        %get3A_288 = arith.index_cast %mul3A_287 : i32 to index
        %get3A_289 = tpu.vector_load %arg8[%get3A_288] {strides = array<i32>} : memref<16400xf32, #tpu.memory_space<vmem>>, vector<16xf32>,
        %mul3A_290 = arith.constant 16 : i32
        %mul3A_291 = arith.muli %squeeze3A_281, %mul3A_290 : i32
        %get3A_292 = arith.index_cast %mul3A_291 : i32 to index
        %get3A_293 = tpu.vector_load %arg9[%get3A_292] {strides = array<i32>} : memref<16400xi32, #tpu.memory_space<vmem>>, vector<16xi32>,
        %swap3A_294 = arith.index_cast %squeeze3A_285 : i32 to index
        %swap3A_295 = tpu.vector_load %arg8[%swap3A_294] {strides = array<i32>} : memref<16400xf32, #tpu.memory_space<vmem>>, vector<16xf32>,
        tpu.vector_store %arg8[%swap3A_294], %get3A_289 {strides = array<i32>} : memref<16400xf32, #tpu.memory_space<vmem>>, vector<16xf32>,
        %swap3A_296 = arith.index_cast %squeeze3A_285 : i32 to index
        %swap3A_297 = tpu.vector_load %arg9[%swap3A_296] {strides = array<i32>} : memref<16400xi32, #tpu.memory_space<vmem>>, vector<16xi32>,
        tpu.vector_store %arg9[%swap3A_296], %get3A_293 {strides = array<i32>} : memref<16400xi32, #tpu.memory_space<vmem>>, vector<16xi32>,
      }
      %broadcast_in_dim3A_238 = arith.constant 0x7F800000 : f32
      %broadcast_in_dim3A_239 = vector.broadcast %broadcast_in_dim3A_238 : f32 to vector<16xf32>
      %swap3A = arith.index_cast %scan3A_218#0 : i32 to index
      %swap3A_240 = tpu.vector_load %arg8[%swap3A] {strides = array<i32>} : memref<16400xf32, #tpu.memory_space<vmem>>, vector<16xf32>,
      tpu.vector_store %arg8[%swap3A], %broadcast_in_dim3A_239 {strides = array<i32>} : memref<16400xf32, #tpu.memory_space<vmem>>, vector<16xf32>,
      %broadcast_in_dim3A_241 = arith.constant 1073741824 : i32
      %broadcast_in_dim3A_242 = vector.broadcast %broadcast_in_dim3A_241 : i32 to vector<16xi32>
      %swap3A_243 = arith.index_cast %scan3A_218#0 : i32 to index
      %swap3A_244 = tpu.vector_load %arg9[%swap3A_243] {strides = array<i32>} : memref<16400xi32, #tpu.memory_space<vmem>>, vector<16xi32>,
      tpu.vector_store %arg9[%swap3A_243], %broadcast_in_dim3A_242 {strides = array<i32>} : memref<16400xi32, #tpu.memory_space<vmem>>, vector<16xi32>,
      %add3A_245 = arith.constant 15 : i32
      %add3A_246 = arith.addi %scan3A_218#0, %add3A_245 : i32
      %jit3A = arith.constant 16 : i32
      %div3A_247 = arith.divsi %add3A_246, %jit3A : i32
      %sign3A = arith.constant 0 : i32
      %sign3A_248 = arith.cmpi sgt, %add3A_246, %sign3A : i32
      %sign3A_249 = arith.extui %sign3A_248 : i1 to i32
      %sign3A_250 = arith.constant 0 : i32
      %sign3A_251 = arith.cmpi slt, %add3A_246, %sign3A_250 : i32
      %sign3A_252 = arith.extui %sign3A_251 : i1 to i32
      %sign3A_253 = arith.subi %sign3A_249, %sign3A_252 : i32
      %sign3A_254 = arith.constant 0 : i32
      %sign3A_255 = arith.cmpi sgt, %jit3A, %sign3A_254 : i32
      %sign3A_256 = arith.extui %sign3A_255 : i1 to i32
      %sign3A_257 = arith.constant 0 : i32
      %sign3A_258 = arith.cmpi slt, %jit3A, %sign3A_257 : i32
      %sign3A_259 = arith.extui %sign3A_258 : i1 to i32
      %sign3A_260 = arith.subi %sign3A_256, %sign3A_259 : i32
      %ne3A = arith.cmpi ne, %sign3A_253, %sign3A_260 : i32
      %rem3A = arith.remsi %add3A_246, %jit3A : i32
      %ne3A_261 = arith.constant 0 : i32
      %ne3A_262 = arith.cmpi ne, %rem3A, %ne3A_261 : i32
      %and3A = arith.andi %ne3A, %ne3A_262 : i1
      %sub3A_263 = arith.constant 1 : i32
      %sub3A_264 = arith.subi %div3A_247, %sub3A_263 : i32
      %select_n3A = arith.select %and3A, %sub3A_264, %div3A_247 : i32
      %parallel_loop3A_265 = arith.constant 0 : i32
      %parallel_loop3A_266 = arith.constant 1 : i32
      scf.for %parallel_loop3A_275 = %parallel_loop3A_265 to %scan3A_218#0 step %parallel_loop3A_266  : i32 {
        %parallel_loop3A_276 = vector.broadcast %parallel_loop3A_275 : i32 to vector<16xi32>
        %parallel_loop3A_277 = tpu.vector_load_idx %arg8[%parallel_loop3A_276] : memref<16400xf32, #tpu.memory_space<vmem>>[vector<16xi32>], vector<16xf32>,
        %parallel_loop3A_278 = tpu.vector_load_idx %arg9[%parallel_loop3A_276] : memref<16400xi32, #tpu.memory_space<vmem>>[vector<16xi32>], vector<16xi32>,
        %parallel_loop3A_279 = arith.constant 0 : i32
        %parallel_loop3A_280 = arith.subi %select_n3A, %parallel_loop3A_279 : i32
        %parallel_loop3A_281 = arith.addi %parallel_loop3A_279, %parallel_loop3A_280 : i32
        %parallel_loop3A_282 = arith.constant 1 : i32
        %parallel_loop3A_283 = arith.divsi %parallel_loop3A_280, %parallel_loop3A_282 : i32
        %parallel_loop3A_284 = arith.muli %parallel_loop3A_283, %parallel_loop3A_282 : i32
        %parallel_loop3A_285 = arith.addi %parallel_loop3A_279, %parallel_loop3A_284 : i32
        %parallel_loop3A_286 = arith.constant 1 : i32
        %parallel_loop3A_287 = scf.for %while3A_305 = %parallel_loop3A_279 to %parallel_loop3A_285 step %parallel_loop3A_286 iter_args(%while3A_306 = %broadcast_in_dim3A_3) -> (vector<16xi32>)  : i32 {
          %parallel_loop3A_307 = arith.constant 16 : i32
          %parallel_loop3A_308 = arith.muli %while3A_305, %parallel_loop3A_307 : i32
          %parallel_loop3A_309 = arith.index_cast %parallel_loop3A_308 : i32 to index
          %parallel_loop3A_310 = tpu.vector_load %arg8[%parallel_loop3A_309] {strides = array<i32>} : memref<16400xf32, #tpu.memory_space<vmem>>, vector<16xf32>,
          %parallel_loop3A_311 = arith.constant 16 : i32
          %parallel_loop3A_312 = arith.muli %while3A_305, %parallel_loop3A_311 : i32
          %parallel_loop3A_313 = arith.index_cast %parallel_loop3A_312 : i32 to index
          %parallel_loop3A_314 = tpu.vector_load %arg9[%parallel_loop3A_313] {strides = array<i32>} : memref<16400xi32, #tpu.memory_space<vmem>>, vector<16xi32>,
          %parallel_loop3A_315 = arith.cmpf olt, %parallel_loop3A_310, %parallel_loop3A_277 : vector<16xf32>
          %parallel_loop3A_316 = arith.cmpf oeq, %parallel_loop3A_310, %parallel_loop3A_277 : vector<16xf32>
          %parallel_loop3A_317 = arith.cmpi slt, %parallel_loop3A_314, %parallel_loop3A_278 : vector<16xi32>
          %parallel_loop3A_318 = arith.andi %parallel_loop3A_316, %parallel_loop3A_317 : vector<16xi1>
          %parallel_loop3A_319 = arith.ori %parallel_loop3A_315, %parallel_loop3A_318 : vector<16xi1>
          %parallel_loop3A_320 = arith.constant 1 : i32
          %parallel_loop3A_321 = arith.constant 0 : i32
          %parallel_loop3A_322 = vector.broadcast %parallel_loop3A_320 : i32 to vector<16xi32>
          %parallel_loop3A_323 = vector.broadcast %parallel_loop3A_321 : i32 to vector<16xi32>
          %parallel_loop3A_324 = arith.select %parallel_loop3A_319, %parallel_loop3A_322, %parallel_loop3A_323 : vector<16xi1>, vector<16xi32>
          %parallel_loop3A_325 = arith.addi %while3A_306, %parallel_loop3A_324 : vector<16xi32>
          scf.yield %parallel_loop3A_325 : vector<16xi32>
        }
        %parallel_loop3A_288 = arith.constant 1 : i32
        %parallel_loop3A_289 = scf.for %while3A_305 = %parallel_loop3A_285 to %parallel_loop3A_281 step %parallel_loop3A_288 iter_args(%while3A_306 = %parallel_loop3A_287) -> (vector<16xi32>)  : i32 {
          %parallel_loop3A_307 = arith.constant 16 : i32
          %parallel_loop3A_308 = arith.muli %while3A_305, %parallel_loop3A_307 : i32
          %parallel_loop3A_309 = arith.index_cast %parallel_loop3A_308 : i32 to index
          %parallel_loop3A_310 = tpu.vector_load %arg8[%parallel_loop3A_309] {strides = array<i32>} : memref<16400xf32, #tpu.memory_space<vmem>>, vector<16xf32>,
          %parallel_loop3A_311 = arith.constant 16 : i32
          %parallel_loop3A_312 = arith.muli %while3A_305, %parallel_loop3A_311 : i32
          %parallel_loop3A_313 = arith.index_cast %parallel_loop3A_312 : i32 to index
          %parallel_loop3A_314 = tpu.vector_load %arg9[%parallel_loop3A_313] {strides = array<i32>} : memref<16400xi32, #tpu.memory_space<vmem>>, vector<16xi32>,
          %parallel_loop3A_315 = arith.cmpf olt, %parallel_loop3A_310, %parallel_loop3A_277 : vector<16xf32>
          %parallel_loop3A_316 = arith.cmpf oeq, %parallel_loop3A_310, %parallel_loop3A_277 : vector<16xf32>
          %parallel_loop3A_317 = arith.cmpi slt, %parallel_loop3A_314, %parallel_loop3A_278 : vector<16xi32>
          %parallel_loop3A_318 = arith.andi %parallel_loop3A_316, %parallel_loop3A_317 : vector<16xi1>
          %parallel_loop3A_319 = arith.ori %parallel_loop3A_315, %parallel_loop3A_318 : vector<16xi1>
          %parallel_loop3A_320 = arith.constant 1 : i32
          %parallel_loop3A_321 = arith.constant 0 : i32
          %parallel_loop3A_322 = vector.broadcast %parallel_loop3A_320 : i32 to vector<16xi32>
          %parallel_loop3A_323 = vector.broadcast %parallel_loop3A_321 : i32 to vector<16xi32>
          %parallel_loop3A_324 = arith.select %parallel_loop3A_319, %parallel_loop3A_322, %parallel_loop3A_323 : vector<16xi1>, vector<16xi32>
          %parallel_loop3A_325 = arith.addi %while3A_306, %parallel_loop3A_324 : vector<16xi32>
          scf.yield %parallel_loop3A_325 : vector<16xi32>
        }
        %parallel_loop3A_290 = arith.constant true
        %parallel_loop3A_291 = vector.broadcast %parallel_loop3A_290 : i1 to vector<16xi1>
        %parallel_loop3A_292 = tpu.scan <sum>, %parallel_loop3A_289 masked %parallel_loop3A_291 : vector<16xi32>, vector<16xi1> -> vector<16xi32>
        %parallel_loop3A_293 = arith.constant 15 : i32
        %parallel_loop3A_294 = vector.broadcast %parallel_loop3A_293 : i32 to vector<16xi32>
        %parallel_loop3A_295 = tpu.iota {dimensions = array<i32: 0>} : vector<16xi32>
        %parallel_loop3A_296 = arith.subi %parallel_loop3A_294, %parallel_loop3A_295 : vector<16xi32>
        %parallel_loop3A_297 = tpu.dynamic_gather %parallel_loop3A_292[%parallel_loop3A_296] in [0] : vector<16xi32>, vector<16xi32> -> vector<16xi32>
        %parallel_loop3A_298 = arith.constant 0 : i32
        %parallel_loop3A_299 = vector.broadcast %parallel_loop3A_298 : i32 to vector<16xi32>
        %parallel_loop3A_300 = arith.cmpi eq, %iota3A, %parallel_loop3A_299 : vector<16xi32>
        %parallel_loop3A_301 = arith.constant 128 : i32
        %parallel_loop3A_302 = vector.broadcast %parallel_loop3A_301 : i32 to vector<16xi32>
        %parallel_loop3A_303 = arith.cmpi slt, %parallel_loop3A_297, %parallel_loop3A_302 : vector<16xi32>
        %parallel_loop3A_304 = arith.andi %parallel_loop3A_300, %parallel_loop3A_303 : vector<16xi1>
        tpu.vector_store_idx %arg10[%parallel_loop3A_297], %parallel_loop3A_277 masked %parallel_loop3A_304 : memref<144xf32, #tpu.memory_space<vmem>>[vector<16xi32>], vector<16xf32>, vector<16xi1>
        tpu.vector_store_idx %arg11[%parallel_loop3A_297], %parallel_loop3A_278 masked %parallel_loop3A_304 : memref<144xi32, #tpu.memory_space<vmem>>[vector<16xi32>], vector<16xi32>, vector<16xi1>
      } {sc.loop_unroll_factor = 1 : i64, sc.parallel_access}
      %mul3A_267 = arith.constant 3 : i32
      %mul3A_268 = arith.muli %add3A_15, %mul3A_267 : i32
      %broadcast_in_dim3A_269 = vector.broadcast %mul3A_268 : i32 to vector<16xi32>
      %scan3A_270 = arith.constant 0 : i32
      %scan3A_271 = arith.constant 24 : i32
      %scan3A_272 = arith.addi %scan3A_270, %scan3A_271 : i32
      %scan3A_273 = arith.constant 1 : i32
      scf.for %scan3A_275 = %scan3A_270 to %scan3A_272 step %scan3A_273  : i32 {
        %mul3A_276 = arith.constant 1 : i32
        %mul3A_277 = arith.muli %scan3A_275, %mul3A_276 : i32
        %add3A_278 = arith.constant 0 : i32
        %add3A_279 = arith.addi %add3A_278, %mul3A_277 : i32
        %mul3A_280 = arith.constant 16 : i32
        %mul3A_281 = arith.muli %add3A_279, %mul3A_280 : i32
        %add3A_282 = vector.broadcast %mul3A_281 : i32 to vector<16xi32>
        %add3A_283 = arith.addi %add3A_282, %iota3A : vector<16xi32>
        %jit3A_284 = arith.constant 3 : i32
        %div3A_285 = vector.broadcast %jit3A_284 : i32 to vector<16xi32>
        %div3A_286 = arith.divsi %add3A_283, %div3A_285 : vector<16xi32>
        %sign3A_287 = arith.constant 0 : i32
        %sign3A_288 = vector.broadcast %sign3A_287 : i32 to vector<16xi32>
        %sign3A_289 = arith.cmpi sgt, %add3A_283, %sign3A_288 : vector<16xi32>
        %sign3A_290 = arith.extui %sign3A_289 : vector<16xi1> to vector<16xi32>
        %sign3A_291 = arith.constant 0 : i32
        %sign3A_292 = vector.broadcast %sign3A_291 : i32 to vector<16xi32>
        %sign3A_293 = arith.cmpi slt, %add3A_283, %sign3A_292 : vector<16xi32>
        %sign3A_294 = arith.extui %sign3A_293 : vector<16xi1> to vector<16xi32>
        %sign3A_295 = arith.subi %sign3A_290, %sign3A_294 : vector<16xi32>
        %sign3A_296 = arith.constant 0 : i32
        %sign3A_297 = arith.cmpi sgt, %jit3A_284, %sign3A_296 : i32
        %sign3A_298 = arith.extui %sign3A_297 : i1 to i32
        %sign3A_299 = arith.constant 0 : i32
        %sign3A_300 = arith.cmpi slt, %jit3A_284, %sign3A_299 : i32
        %sign3A_301 = arith.extui %sign3A_300 : i1 to i32
        %sign3A_302 = arith.subi %sign3A_298, %sign3A_301 : i32
        %ne3A_303 = vector.broadcast %sign3A_302 : i32 to vector<16xi32>
        %ne3A_304 = arith.cmpi ne, %sign3A_295, %ne3A_303 : vector<16xi32>
        %rem3A_305 = vector.broadcast %jit3A_284 : i32 to vector<16xi32>
        %rem3A_306 = arith.remsi %add3A_283, %rem3A_305 : vector<16xi32>
        %ne3A_307 = arith.constant 0 : i32
        %ne3A_308 = vector.broadcast %ne3A_307 : i32 to vector<16xi32>
        %ne3A_309 = arith.cmpi ne, %rem3A_306, %ne3A_308 : vector<16xi32>
        %and3A_310 = arith.andi %ne3A_304, %ne3A_309 : vector<16xi1>
        %sub3A_311 = arith.constant 1 : i32
        %sub3A_312 = vector.broadcast %sub3A_311 : i32 to vector<16xi32>
        %sub3A_313 = arith.subi %div3A_286, %sub3A_312 : vector<16xi32>
        %select_n3A_314 = arith.select %and3A_310, %sub3A_313, %div3A_286 : vector<16xi1>, vector<16xi32>
        %mul3A_315 = arith.constant 3 : i32
        %mul3A_316 = vector.broadcast %mul3A_315 : i32 to vector<16xi32>
        %mul3A_317 = arith.muli %select_n3A_314, %mul3A_316 : vector<16xi32>
        %sub3A_318 = arith.subi %add3A_283, %mul3A_317 : vector<16xi32>
        %gather3A = tpu.vector_load_idx %arg11[%select_n3A_314] : memref<144xi32, #tpu.memory_space<vmem>>[vector<16xi32>], vector<16xi32>,
        %gather3A_319 = tpu.vector_load_idx %arg10[%select_n3A_314] : memref<144xf32, #tpu.memory_space<vmem>>[vector<16xi32>], vector<16xf32>,
        %mul3A_320 = arith.constant 3 : i32
        %mul3A_321 = vector.broadcast %mul3A_320 : i32 to vector<16xi32>
        %mul3A_322 = arith.muli %gather3A, %mul3A_321 : vector<16xi32>
        %add3A_323 = arith.addi %mul3A_322, %sub3A_318 : vector<16xi32>
        %shift_right_arithmetic3A = arith.constant 7 : i32
        %shift_right_arithmetic3A_324 = vector.broadcast %shift_right_arithmetic3A : i32 to vector<16xi32>
        %shift_right_arithmetic3A_325 = arith.shrsi %add3A_323, %shift_right_arithmetic3A_324 : vector<16xi32>
        %and3A_326 = arith.constant 127 : i32
        %and3A_327 = vector.broadcast %and3A_326 : i32 to vector<16xi32>
        %and3A_328 = arith.andi %add3A_323, %and3A_327 : vector<16xi32>
        %gather3A_329 = tpu.vector_load_idx %arg5[%shift_right_arithmetic3A_325, %and3A_328] : memref<384x128xf32, #tpu.memory_space<vmem>>[vector<16xi32>, vector<16xi32>], vector<16xf32>,
        %add3A_330 = arith.addi %broadcast_in_dim3A_269, %sub3A_318 : vector<16xi32>
        %gather3A_331 = tpu.vector_load_idx %arg12[%add3A_330] : memref<400xf32, #tpu.memory_space<vmem>>[vector<16xi32>], vector<16xf32>,
        %le3A = arith.constant 2.250000e+00 : f32
        %le3A_332 = vector.broadcast %le3A : f32 to vector<16xf32>
        %le3A_333 = arith.cmpf ole, %gather3A_319, %le3A_332 : vector<16xf32>
        %sub3A_334 = arith.subf %gather3A_329, %gather3A_331 : vector<16xf32>
        %broadcast_in_dim3A_335 = arith.constant 0.000000e+00 : f32
        %broadcast_in_dim3A_336 = vector.broadcast %broadcast_in_dim3A_335 : f32 to vector<16xf32>
        %select_n3A_337 = arith.select %le3A_333, %sub3A_334, %broadcast_in_dim3A_336 : vector<16xi1>, vector<16xf32>
        %mul3A_338 = arith.constant 16 : i32
        %mul3A_339 = arith.muli %add3A_279, %mul3A_338 : i32
        %swap3A_340 = arith.index_cast %mul3A_339 : i32 to index
        %swap3A_341 = tpu.vector_load %arg13[%swap3A_340] {strides = array<i32>} : memref<384xf32, #tpu.memory_space<vmem>>, vector<16xf32>,
        tpu.vector_store %arg13[%swap3A_340], %select_n3A_337 {strides = array<i32>} : memref<384xf32, #tpu.memory_space<vmem>>, vector<16xf32>,
      }
      %scan3A_274 = arith.constant 24 : i32
      "tpu.region"() ({
        %run_scoped3A = tpu.sem_alloc : memref<!tpu.dma_semaphore, #tpu.memory_space<semaphore_mem>>
        %dma_start3A_275 = arith.constant 0 : i32
        %dma_start3A_276 = tpu.memref_slice %arg4[%add3A_15, %dma_start3A_275] : memref<128x384xf32, #tpu.memory_space<hbm>> -> memref<1x384xf32, #tpu.memory_space<hbm>>
        %dma_start3A_277 = tpu.memref_squeeze %dma_start3A_276 : memref<1x384xf32, #tpu.memory_space<hbm>> -> memref<384xf32, #tpu.memory_space<hbm>>
        %dma_start3A_278 = arith.constant 0 : i32
        %dma_start3A_279 = tpu.memref_slice %arg4[%add3A_15, %dma_start3A_278] : memref<128x384xf32, #tpu.memory_space<hbm>> -> memref<1x384xf32, #tpu.memory_space<hbm>>
        %dma_start3A_280 = tpu.memref_squeeze %dma_start3A_279 : memref<1x384xf32, #tpu.memory_space<hbm>> -> memref<384xf32, #tpu.memory_space<hbm>>
        tpu.enqueue_dma source(%arg13 : memref<384xf32, #tpu.memory_space<vmem>>) target(%dma_start3A_280 : memref<384xf32, #tpu.memory_space<hbm>>) target_semaphore(%run_scoped3A : memref<!tpu.dma_semaphore, #tpu.memory_space<semaphore_mem>>)
        %dma_wait3A_281 = arith.constant 0 : i32
        %dma_wait3A_282 = tpu.memref_slice %arg4[%add3A_15, %dma_wait3A_281] : memref<128x384xf32, #tpu.memory_space<hbm>> -> memref<1x384xf32, #tpu.memory_space<hbm>>
        %dma_wait3A_283 = tpu.memref_squeeze %dma_wait3A_282 : memref<1x384xf32, #tpu.memory_space<hbm>> -> memref<384xf32, #tpu.memory_space<hbm>>
        %dma_wait3A_284 = arith.constant 0 : i32
        %dma_wait3A_285 = tpu.memref_slice %arg4[%add3A_15, %dma_wait3A_284] : memref<128x384xf32, #tpu.memory_space<hbm>> -> memref<1x384xf32, #tpu.memory_space<hbm>>
        %dma_wait3A_286 = tpu.memref_squeeze %dma_wait3A_285 : memref<1x384xf32, #tpu.memory_space<hbm>> -> memref<384xf32, #tpu.memory_space<hbm>>
        tpu.wait_dma2 semaphore(%run_scoped3A : memref<!tpu.dma_semaphore, #tpu.memory_space<semaphore_mem>>) src(%arg13 : memref<384xf32, #tpu.memory_space<vmem>>) dst(%dma_wait3A_286 : memref<384xf32, #tpu.memory_space<hbm>>)
        tpu.yield
      }) : () -> ()
    }
    %scan3A_7 = arith.constant 4 : i32
    return
  }
}

</mosaic_0001>

<sc_bundles>
// kernel: kernel.3.cloned.1.call-start
scs
__scs_entry_jumppad:
0x0: {  	(pc) =	sbr.rel $0x88, $3  }
0x1: {  	(tag) =	ssettag $0x0;
	lr =	simm.s32 $0x1  }
0x2: {  	[smem:$0x3F9F] =	sst lr;
	_ =	strace $0xD0000000  }
0x3: {  	_ = 	snop  }
0x4: {  	_ = 	snop  }
0x5: {  	_ = 	snop  }
0x6: {  	_ = 	snop  }
0x7: {  	_ = 	snop  }
__scs_overlays_trampoline_lowered:
0x8: {  	[smem:$0x3FAE] =	sst s0  }
0x9: {  	[smem:$0x3FAF] =	sst s1  }
0xa: {  	[smem:$0x3FB0] =	sst s2  }
0xb: {  	[smem:$0x3FB1] =	sst s3  }
0xc: {  	[smem:$0x3FB2] =	sst s4  }
0xd: {  	[smem:$0x3FB3] =	sst s5  }
0xe: {  	[smem:$0x3FB4] =	sst s6  }
0xf: {  	[smem:$0x3FB5] =	sst s7  }
0x10: {  	[smem:$0x3FB6] =	sst s8  }
0x11: {  	[smem:$0x3FB7] =	sst s9;
	s0 =	simm.s32 @!p0 $0x0  }
0x12: {  	s1 =	sld [smem:$0x3F9D];
	s0 =	simm.s32 @p0 $0x1  }
0x13: {  	[smem:$0x3FB8] =	sst s0;
	s0 =	simm.s32 @!p1 $0x0  }
0x14: {  	s2 =	sld [smem:$0x3F9C];
	s0 =	simm.s32 @p1 $0x1  }
0x15: {  	[smem:$0x3FB9] =	sst s0;
	s0 =	simm.s32 @!p2 $0x0  }
0x16: {  	s3 =	sld [smem:$0x3FDB];
	s0 =	simm.s32 @p2 $0x1  }
0x17: {  	s4 =	simm.s32 $0x1BF5;
	[smem:$0x3FBB] =	sst s0  }
0x18: {  	s0 =	sld [smem:$0x3F9E];
	_ =	swait.ge [sflag:s4], $0x0  }
0x19: {  	s7 =	sld [smem:$0x3F9F]  }
0x1a: {  	s8 =	sadd.s32 $0xFFFFE003, lr  }
0x1b: {  	s9 =	sadd.s32 $0xFFFFFEF7, lr;
	s5 =	simm.s32 $0xFFFFFFFF;
	p2 =	slt.u32 s8, $0xFFFFF086  }
0x1c: {  	p1 =	slt.u32 s9, $0xF7A;
	s5 =	simm.s32 @!p2 $0x0  }
0x1d: {  	s5 =	simm.s32 @p1 $0x1;
	p0 =	seq.s32 s7, s2  }
0x1e: {  	s7 =	smul.u32 @!p0 $0xF7A, s2;
	p2 =	seq.s32 @!p0 s5, $0x0  }
0x1f: {  	s9 =	smul.u32 $0xF7A, s1;
	s8 =	simm.s32 @!p0 $0x1BF5;
	p2 =	por !p2, p0  }
0x20: {  	[sflag:s8] =	ssyncset.s32 @!p0 $0xFFFFF086;
	s6 =	sadd.s32 @!p0 s3, s7;
	s7 =	simm.s32 @!p0 $0x108  }
0x21: {  	s3 =	sadd.s32 s3, s9;
	s6 =	sadd.s32 @!p0 $0x88, s6;
	s7 =	simm.s32 @p2 $0x1082  }
0x22: {  	[simem:s7], [sflag:s8] =	dma.local @!p0 [hbm:s6], $0xF7A  }
0x23: {  	s9 =	sor.u32 $0xD0000000, s2;
	s6 =	simm.s32 $0x108;
	_ =	swait.ge @!p0 [sflag:s8], $0x0  }
0x24: {  	s3 =	sadd.s32 $0x88, s3;
	s6 =	simm.s32 @!p1 $0x1082;
	[sflag:s4] =	ssyncset.s32 $0xFFFFF086  }
0x25: {  	[simem:s6], [sflag:s4] =	dma.local [hbm:s3], $0xF7A  }
0x26: {  	[smem:$0x3F9F] =	sst s1;
	(tag) =	ssettag s2;
	_ =	strace s9  }
0x27: {  	s1 =	sld [smem:$0x3FAF]  }
0x28: {  	s2 =	sld [smem:$0x3FB0]  }
0x29: {  	s4 =	sld [smem:$0x3FB2]  }
0x2a: {  	p0 =	seq.s32 s5, $0x0;
	s5 =	sld [smem:$0x3FB3]  }
0x2b: {  	s6 =	sld [smem:$0x3FB4]  }
0x2c: {  	s7 =	sld [smem:$0x3FB5]  }
0x2d: {  	s3 =	simm.s32 $0x108;
	s8 =	sld [smem:$0x3FB6]  }
0x2e: {  	s3 =	simm.s32 @!p0 $0x1082;
	s9 =	sld [smem:$0x3FB7]  }
0x2f: {  	lr =	sadd.s32 s0, s3;
	s0 =	sld [smem:$0x3FAE]  }
0x30: {  	s3 =	sld [smem:$0x3FB1]  }
0x31: {  	[smem:$0x3FBA] =	sst s10  }
0x32: {  	s10 =	sld [smem:$0x3FB8];
	_ =	sdelay $0x3  }
0x33: {  	p0 =	seq.s32 s10, $0x1;
	s10 =	sld [smem:$0x3FBA];
	_ =	sdelay $0x3  }
0x34: {  	[smem:$0x3FBA] =	sst s10  }
0x35: {  	s10 =	sld [smem:$0x3FB9];
	_ =	sdelay $0x3  }
0x36: {  	p1 =	seq.s32 s10, $0x1;
	s10 =	sld [smem:$0x3FBA];
	_ =	sdelay $0x3  }
0x37: {  	[smem:$0x3FBA] =	sst s10  }
0x38: {  	s10 =	sld [smem:$0x3FBB]  }
0x39: {  	_ = 	snop;
	(pc) =	sbr.ind lr, $3  }
0x3a: {  	_ = 	snop  }
0x3b: {  	_ = 	snop  }
0x3c: {  	p2 =	seq.s32 s10, $0x1;
	s10 =	sld [smem:$0x3FBA]  }
0x3d: {  	_ =	shalt  }
0x3e: {  	_ =	shalt  }
0x3f: {  	_ =	shalt  }
0x40: {  	_ =	shalt  }
0x41: {  	_ =	shalt  }
0x42: {  	_ =	shalt  }
0x43: {  	_ =	shalt  }
0x44: {  	_ =	shalt  }
0x45: {  	_ =	shalt  }
0x46: {  	_ =	shalt  }
0x47: {  	_ =	shalt  }
0x48: {  	_ =	shalt  }
0x49: {  	_ =	shalt  }
0x4a: {  	_ =	shalt  }
0x4b: {  	_ =	shalt  }
0x4c: {  	_ =	shalt  }
0x4d: {  	_ =	shalt  }
0x4e: {  	_ =	shalt  }
0x4f: {  	_ =	shalt  }
0x50: {  	_ =	shalt  }
0x51: {  	_ =	shalt  }
0x52: {  	_ =	shalt  }
0x53: {  	_ =	shalt  }
0x54: {  	_ =	shalt  }
0x55: {  	_ =	shalt  }
0x56: {  	_ =	shalt  }
0x57: {  	_ =	shalt  }
0x58: {  	_ =	shalt  }
0x59: {  	_ =	shalt  }
0x5a: {  	_ =	shalt  }
0x5b: {  	_ =	shalt  }
0x5c: {  	_ =	shalt  }
0x5d: {  	_ =	shalt  }
0x5e: {  	_ =	shalt  }
0x5f: {  	_ =	shalt  }
0x60: {  	_ =	shalt  }
0x61: {  	_ =	shalt  }
0x62: {  	_ =	shalt  }
0x63: {  	_ =	shalt  }
0x64: {  	_ =	shalt  }
0x65: {  	_ =	shalt  }
0x66: {  	_ =	shalt  }
0x67: {  	_ =	shalt  }
0x68: {  	_ =	shalt  }
0x69: {  	_ =	shalt  }
0x6a: {  	_ =	shalt  }
0x6b: {  	_ =	shalt  }
0x6c: {  	_ =	shalt  }
0x6d: {  	_ =	shalt  }
0x6e: {  	_ =	shalt  }
0x6f: {  	_ =	shalt  }
0x70: {  	_ =	shalt  }
0x71: {  	_ =	shalt  }
0x72: {  	_ =	shalt  }
0x73: {  	_ =	shalt  }
0x74: {  	_ =	shalt  }
0x75: {  	_ =	shalt  }
0x76: {  	_ =	shalt  }
0x77: {  	_ =	shalt  }
0x78: {  	_ =	shalt  }
0x79: {  	_ =	shalt  }
0x7a: {  	_ =	shalt  }
0x7b: {  	_ =	shalt  }
0x7c: {  	_ =	shalt  }
0x7d: {  	_ =	shalt  }
0x7e: {  	_ =	shalt  }
0x7f: {  	_ =	shalt  }
0x80: {  	_ =	shalt  }
0x81: {  	_ =	shalt  }
0x82: {  	_ =	shalt  }
0x83: {  	_ =	shalt  }
0x84: {  	_ =	shalt  }
0x85: {  	_ =	shalt  }
0x86: {  	_ =	shalt  }
0x87: {  	_ =	shalt  }
.Lfunc_end0:
.L_simem_size_0:
called_computation_lowered:
.L_overlay_start_0:
0x88: {  	s2 =	sld [smem:$0x3FD9]  }
0x89: {  	s3 =	sld [smem:$0x3FFE];
	_ =	sdelay $0x1  }
0x8a: {  	s1 =	srdreg.scid  }
0x8b: {  	s0 =	sand.u32 $0x1, s1  }
0x8c: {  	s17 =	sshll.u32 s0, $0xA;
	s2 =	sadd.s32 s3, s2  }
0x8d: {  	s2 =	sadd.s32 s2, s17  }
0x8e: {  	[smem:$0x3FC6] =	sst s2  }
0x8f: {  	_ = 	snop  }
0x90: {  	s2 =	sld [smem:$0x3FD0];
	(tm) =	ssettm $0x1  }
0x91: {  	s18 =	sld [smem:$0x3FFB];
	_ =	sdelay $0x3  }
0x92: {  	_ =	strace s18  }
0x93: {  	s3 =	sld [smem:$0x3FFC];
	_ =	sdelay $0x3  }
0x94: {  	_ =	strace s3  }
0x95: {  	s3 =	sld [smem:$0x3FFD];
	_ =	sdelay $0x3  }
0x96: {  	_ =	strace s3  }
0x97: {  	_ =	strace $0x8FFFFFFF  }
0x98: {  	s19 =	sld [smem:$0x3FDB];
	_ =	sdelay $0x1  }
0x99: {  	s4 =	simm.s32 $_scs_section_size  }
0x9a: {  	s5 =	simm.s32 $_size__tile_overlayer_lowered;
	s6 =	simm.s32 $_tile_overlayer_lowered  }
0x9b: {  	s22 =	simm.s32 $0x1BFF;
	s21 =	sshll.u32 s6, $0x1;
	s3 =	sadd.s32 s4, s19  }
0x9c: {  	s7 =	simm.s32 $0x0;
	s20 =	sshll.u32 s5, $0x1;
	s5 =	sadd.s32 s21, s3  }
0x9d: {  	[timem:s7], [sflag:s22] =	dma.local [hbm:s5], s20  }
0x9e: {  	_ =	swait.ge [sflag:s22], s20  }
0x9f: {  	s4 =	ssub.s32 $0x0, s20;
	[sflag:s22] =	ssyncset.done $0x0  }
0xa0: {  	[sflag:s22] =	ssyncadd.s32 s4;
	_ =	sdelay $0x1  }
0xa1: {  	s23 =	simm.s32 $0x1B8B  }
0xa2: {  	_ =	swait.ge [sflag:s23], $0x1  }
0xa3: {  	[sflag:s23] =	ssyncset.done $0x0  }
0xa4: {  	s25 =	simm.s32 $0x1B8E;
	s24 =	sld [smem:$0x3FFE];
	[sflag:s23] =	ssyncadd.s32 $0xFFFFFFFF  }
0xa5: {  	s26 =	simm.s32 $execute0_lowered;
	[smem:$0x3FD2] =	sst s25  }
0xa6: {  	s5 =	sshll.u32 s26, $0x1;
	_ =	strace $0x80000046;
	[dreg:$0x1] =	wrdreg $0xFFFFFFFF  }
0xa7: {  	s28 =	simm.s32 $_size_execute0_lowered;
	s3 =	sadd.s32 s3, s5;
	[dreg:$0x0] =	wrdreg $0x0  }
0xa8: {  	s5 =	sshll.u32 s28, $0x1;
	[dreg:$0x2] =	wrdreg s3  }
0xa9: {  	[dreg:$0x3] =	wrdreg s5  }
0xaa: {  	[dreg:$0x4] =	wrdreg $0xC0  }
0xab: {  	_ =	task [dreg:s7], $0x5FFFF  }
0xac: {  	[dreg:$0x1] =	wrdreg $0xFFFFFFFF  }
0xad: {  	[dreg:$0x0] =	wrdreg $0x60  }
0xae: {  	[dreg:$0x2] =	wrdreg s24  }
0xaf: {  	[dreg:$0x3] =	wrdreg s2  }
0xb0: {  	[dreg:$0x4] =	wrdreg $0x9  }
0xb1: {  	_ =	task.clear_ibuf [dreg:s7], $0x5FFFF;
	_ =	strace $0x90000046  }
0xb2: {  	s29 =	simm.s32 $0x9;
	_ =	strace $0x80000048  }
0xb3: {  	_ =	swait.ge [sflag:s29], $0x1  }
0xb4: {  	[sflag:s29] =	ssyncadd.s32 $0xFFFFFFFF  }
0xb5: {  	_ =	strace $0x90000048  }
0xb6: {  	_ =	sfence  }
0xb7: {  	s30 =	sld [smem:$0x0];
	_ =	sdelay $0x2  }
0xb8: {  	s31 =	sshll.u32 s1, $0xD;
	s1 =	sshrl.u32 s1, $0x2  }
0xb9: {  	s3 =	sand.u32 $0x4000, s31;
	s1 =	sadd.s32 s1, s30  }
0xba: {  	s0 =	sor.u32 s3, s0;
	s1 =	sshll.u32 s1, $0x11  }
0xbb: {  	s0 =	sor.u32 s1, s0  }
0xbc: {  	s0 =	sadd.s32 $0x8F2B, s0  }
0xbd: {  	[sflag:s0] =	ssyncadd.remote.s32 $0x1  }
0xbe: {  	_ =	sfence.sel $0xFFFF  }
0xbf: {  	[dreg:$0x0] =	wrdreg $0xFFFFFFFF;
	(pc) =	sbr.abs _section_cstart, $3  }
0xc0: {  	[dreg:$0x1] =	wrdreg $0xFFFFFFFF  }
0xc1: {  	_ =	task.clear_ibuf [dreg:s7], $0x2FFFF;
	_ =	strace $0x9FFFFFFF  }
0xc2: {  	(tm) =	ssettm $0x7FFFFFFF  }
0xc3: {  	_ =	shalt  }
tec
execute0_lowered:
.L_overlay_start_1:
0x0: {  	(tag) =	ssettag $0x1  }
0x1: {  	s0 =	rddreg [dreg:$0x0]  }
0x2: {  	s2 =	simm.s32 $0x0;
	s1 =	srdreg.scid;
	s7 =	stileid.u32  }
0x3: {  	s9 =	simm.s32 $0x18700;
	s10 =	simm.s32 $0x5;
	s14 =	simm.s32 $0x1  }
0x4: {  	s15 =	simm.s32 $0x10000;
	s16 =	simm.s32 $0x2;
	s17 =	simm.s32 $0x3  }
0x5: {  	s18 =	simm.s32 $0x4;
	s19 =	simm.s32 $0x18500;
	s20 =	simm.s32 $0x18600  }
0x6: {  	s23 =	simm.s32 $0x18900;
	[smem:$0x7FF] =	sst s2;
	s1 =	sand.u32 $0x1, s1  }
.Ltmp0:
0x7: {  	s4 =	sadd.s32 $0x600, s0;
	s3 =	ssub.s32 $0x2, s1;
	(pc) =	sbr.rel .LBB2_1-.Ltmp0, $4  }
0x8: {  	v0 =	vlaneseq.u32;
	s6 =	sshll.u32 s7, $0x3;
	s0 =	sadd.s32 $0xC0600, s0;
	s5 =	sshrl.u32 s3, $0x1  }
0x9: {  	s7 =	smul.u32 $0xC00, s7;
	v1 =	vmul.u32 $0x3, v0;
	_ =	strace $0x80000047;
	s31 =	ssub.s32 s3, s5  }
0xa: {  	v2 =	vimm.s32 $0x0;
	v5 =	vimm.s32 $0x1;
	v6 =	vimm.f32 $+Inf;
	s1 =	sshll.u32 s1, $0x2;
	[dreg:$0x3] =	wrdreg s0;
	s0 =	smax.u32 s31, $0x1  }
0xb: {  	v7 =	vimm.s32 $0x40000000;
	s6 =	sor.u32 s1, s6;
	v3 =	vadd.s32 $0x1, v1;
	v4 =	vadd.s32 $0x2, v1;
	s1 =	simm.s32 $0x0;
	[dreg:$0x4] =	wrdreg s0  }
.LBB2_35:
0xc: {  	s1 =	rddreg [dreg:$0x5]  }
0xd: {  	s0 =	rddreg [dreg:$0x4];
	s1 =	sadd.s32 $0x1, s1  }
0xe: {  	p0 =	sne.s32 s1, s0  }
.Ltmp1:
0xf: {  	_ = 	snop;
	(pc) =	sbr.rel @!p0 .LBB2_36-.Ltmp1, $1  }
0x10: {  	_ =	sdelay $0x3  }
.LBB2_1:
0x11: {  	[dreg:$0x5] =	wrdreg s1  }
0x12: {  	s0 =	rddreg [dreg:$0x3]  }
0x13: {  	[tilespmem:s9], [sflag:$0x5] =	stream.linear.gather [hbm4b:s0+s2], $0x200, $0x38;
	[tilespmem:$0x19780] =	vst v63  }
0x14: {  	_ =	swait.ge [sflag:s10], $0x200  }
0x15: {  	[sflag:s10] =	ssyncset.done $0x0  }
0x16: {  	s25 =	simm.s32 $0x0;
	[sflag:s10] =	ssyncadd.s32 $0xFFFFFE00  }
.LBB2_2:
0x17: {  	s26 =	sadd.s32 s6, s25  }
0x18: {  	s0 =	smul.u32 $0x1800, s26;
	_ =	sdelay $0x1  }
0x19: {  	s1 =	simm.s32 $0x0;
	s0 =	sadd.s32 s4, s0  }
0x1a: {  	[tilespmem:s1], [sflag:$0x1] =	stream.linear.gather [hbm4b:s0+s1], $0x3000, $0x38;
	[tilespmem:$0x19780] =	vst v63  }
0x1b: {  	s5 =	simm.s32 $0x3000;
	s3 =	sadd.s32 $0x600, s0  }
0x1c: {  	[tilespmem:s5], [sflag:$0x2] =	stream.linear.gather [hbm4b:s3+s1], $0x3000, $0x38;
	[tilespmem:$0x19780] =	vst v63  }
0x1d: {  	s30 =	simm.s32 $0x6000;
	s29 =	sadd.s32 $0xC00, s0  }
0x1e: {  	[tilespmem:s30], [sflag:$0x3] =	stream.linear.gather [hbm4b:s29+s1], $0x3000, $0x38;
	[tilespmem:$0x19780] =	vst v63  }
0x1f: {  	s31 =	simm.s32 $0x9000;
	s28 =	smul.u32 $0x3, s26;
	s0 =	sadd.s32 $0x1200, s0  }
0x20: {  	[tilespmem:s31], [sflag:$0x4] =	stream.linear.gather [hbm4b:s0+s1], $0x3000, $0x38;
	[tilespmem:$0x19780] =	vst v63  }
0x21: {  	s0 =	simm.s32 $0x40;
	s1 =	simm.s32 $0x0;
	v8 =	vld [tilespmem:s28+$0x18700]  }
.LBB2_3:
0x22: {  	p0 =	sne.s32 s0, $0xFC0;
	[tilespmem:s1+$0x10000] =	vst v2;
	s1 =	smov.u32 s0;
	s0 =	sadd.s32 $0x40, s0  }
.Ltmp2:
0x23: {  	(pc) =	sbr.rel @p0 .LBB2_3-.Ltmp2, $2  }
0x24: {  	_ =	sdelay $0x2  }
0x25: {  	s1 =	sshra.s32 s1, $0x2  }
0x26: {  	s0 =	simm.s32 $0x90  }
0x27: {  	v9 =	vadd.s32 s0, v1  }
0x28: {  	[tilespmem:s1+$0x10000] =	vst v2;
	s12 =	simm.s32 $0x0;
	v10 =	vadd.s32 s0, v3  }
0x29: {  	_ =	swait.ge [sflag:s14], $0x3000;
	v11 =	vor.u32 s12, v1  }
0x2a: {  	s13 =	simm.s32 $0x30;
	v12 =	vadd.s32 s0, v4;
	[sflag:s14] =	ssyncset.done $0x0  }
0x2b: {  	v14 =	vadd.s32 s13, v1;
	[sflag:s14] =	ssyncadd.s32 $0xFFFFD000  }
0x2c: {  	s3 =	simm.s32 $0x60;
	v16 =	vadd.s32 s13, v3;
	v13 =	vld.idx.msk [tilespmem:v9+s2+$0x0], $0xffff  }
0x2d: {  	v17 =	vadd.s32 s3, v1;
	v18 =	vadd.s32 s3, v3;
	v19 =	vor.u32 s12, v3;
	v15 =	vld.idx.msk [tilespmem:v10+s2+$0x0], $0xffff  }
0x2e: {  	s21 =	simm.s32 $0xC0;
	s22 =	simm.s32 $0x150;
	v20 =	vadd.s32 s13, v4;
	v21 =	vor.u32 s12, v4;
	v22 =	vadd.s32 s3, v4;
	v11 =	vld.idx.msk [tilespmem:v11+s2+$0x0], $0xffff  }
0x2f: {  	s24 =	simm.s32 $0xF0;
	s5 =	simm.s32 $0x120;
	v23 =	vor.u32 s21, v1;
	v24 =	vadd.s32 s22, v1;
	v25 =	vadd.s32 s22, v3;
	v12 =	vld.idx.msk [tilespmem:v12+s2+$0x0], $0xffff  }
0x30: {  	s8 =	simm.s32 $0x210;
	v26 =	vor.u32 s21, v4;
	v27 =	vadd.s32 s24, v1;
	v28 =	vadd.s32 s5, v1;
	v14 =	vld.idx.msk [tilespmem:v14+s2+$0x0], $0xffff  }
0x31: {  	s11 =	simm.s32 $0x1B0;
	v29 =	vadd.s32 s22, v4;
	v31 =	vadd.s32 s5, v3;
	v32 =	vadd.s32 s8, v3;
	v16 =	vld.idx.msk [tilespmem:v16+s2+$0x0], $0xffff  }
0x32: {  	s12 =	simm.s32 $0x1E0;
	v33 =	vadd.s32 s11, v3;
	v35 =	vadd.s32 s11, v4;
	v10 =	vbroadcast v8, $0x0;
	v17 =	vld.idx.msk [tilespmem:v17+s2+$0x0], $0xffff  }
0x33: {  	v36 =	vadd.s32 s8, v4;
	v34 =	vadd.s32 s12, v1;
	v9 =	vbroadcast v8, $0x1;
	v19 =	vld.idx.msk [tilespmem:v19+s2+$0x0], $0xffff  }
0x34: {  	s13 =	simm.s32 $0x240;
	v38 =	vadd.s32 s12, v4;
	v8 =	vbroadcast v8, $0x2;
	v18 =	vld.idx.msk [tilespmem:v18+s2+$0x0], $0xffff;
	v13 =	vsub.f32 v13, v10  }
0x35: {  	s22 =	simm.s32 $0x270;
	v56 =	vor.u32 s13, v3;
	v22 =	vld.idx.msk [tilespmem:v22+s2+$0x0], $0xffff;
	v15 =	vsub.f32 v15, v9;
	v11 =	vsub.f32 v11, v10  }
0x36: {  	v58 =	vadd.s32 s22, v3;
	v12 =	vsub.f32 v12, v8;
	v14 =	vsub.f32 v14, v10  }
0x37: {  	v24 =	vld.idx.msk [tilespmem:v24+s2+$0x0], $0xffff;
	v16 =	vsub.f32 v16, v9;
	v17 =	vsub.f32 v17, v10;
	v13 =	vmul.f32 v13, v13  }
0x38: {  	v27 =	vld.idx.msk [tilespmem:v27+s2+$0x0], $0xffff;
	v19 =	vsub.f32 v19, v9;
	v15 =	vmul.f32 v15, v15;
	v11 =	vmul.f32 v11, v11  }
0x39: {  	v29 =	vld.idx.msk [tilespmem:v29+s2+$0x0], $0xffff;
	v18 =	vsub.f32 v18, v9;
	v12 =	vmul.f32 v12, v12;
	v14 =	vmul.f32 v14, v14  }
0x3a: {  	v23 =	vld.idx.msk [tilespmem:v23+s2+$0x0], $0xffff;
	v22 =	vsub.f32 v22, v8;
	v16 =	vmul.f32 v16, v16;
	v19 =	vmul.f32 v19, v19  }
0x3b: {  	v25 =	vld.idx.msk [tilespmem:v25+s2+$0x0], $0xffff;
	v17 =	vmul.f32 v17, v17;
	v18 =	vmul.f32 v18, v18;
	v13 =	vadd.f32 v15, v13  }
0x3c: {  	v15 =	vld.idx.msk [tilespmem:v20+s2+$0x0], $0xffff;
	v20 =	vor.u32 s21, v3;
	v14 =	vadd.f32 v16, v14;
	v11 =	vadd.f32 v19, v11  }
0x3d: {  	v32 =	vld.idx.msk [tilespmem:v32+s2+$0x0], $0xffff;
	v19 =	vmul.f32 v22, v22;
	v22 =	vsub.f32 v24, v10;
	v12 =	vadd.f32 v12, v13  }
0x3e: {  	s0 =	simm.s32 $0xC020;
	v36 =	vld.idx.msk [tilespmem:v36+s2+$0x0], $0xffff;
	v16 =	vadd.s32 s24, v4;
	v24 =	vsub.f32 v27, v10;
	v27 =	vsub.f32 v29, v8  }
0x3f: {  	s21 =	simm.s32 $0x2D0;
	v13 =	vld.idx.msk [tilespmem:v21+s2+$0x0], $0xffff;
	v21 =	vadd.s32 s24, v3;
	v30 =	vshrl.u32 v12, $0x15;
	[tilespmem:s0+$0x10] =	vst v12;
	v12 =	vadd.f32 v18, v17  }
0x40: {  	v57 =	vadd.s32 s21, v1;
	v18 =	vsub.f32 v23, v10;
	v23 =	vsub.f32 v25, v9;
	v25 =	vld.idx.msk [tilespmem:v28+s2+$0x0], $0xffff  }
0x41: {  	v59 =	vadd.s32 s21, v3;
	v22 =	vmul.f32 v22, v22;
	v17 =	vadd.s32 s5, v4;
	v28 =	vld.idx.msk [tilespmem:v31+s2+$0x0], $0xffff  }
0x42: {  	v24 =	vmul.f32 v24, v24;
	s24 =	simm.s32 $0x2A0;
	v31 =	vadd.s32 s11, v1;
	v15 =	vsub.f32 v15, v8;
	v20 =	vld.idx.msk [tilespmem:v20+s2+$0x0], $0xffff  }
0x43: {  	v60 =	vadd.s32 s24, v1;
	v61 =	vadd.s32 s24, v3;
	s5 =	simm.s32 $0x180;
	v16 =	vld.idx.msk [tilespmem:v16+s2+$0x0], $0xffff;
	v23 =	vmul.f32 v23, v23  }
0x44: {  	v29 =	vor.u32 s5, v3;
	v18 =	vmul.f32 v18, v18;
	v15 =	vmul.f32 v15, v15;
	v21 =	vld.idx.msk [tilespmem:v21+s2+$0x0], $0xffff  }
0x45: {  	v22 =	vadd.f32 v23, v22;
	v23 =	vmul.f32 v27, v27;
	v27 =	vor.u32 s5, v4;
	[tilespmem:v30+s15+$0x0] =	vst.idx.add.s32.msk $0xffff, v5  }
0x46: {  	v12 =	vadd.f32 v19, v12;
	v14 =	vadd.f32 v15, v14;
	v15 =	vor.u32 s5, v1;
	v17 =	vld.idx.msk [tilespmem:v17+s2+$0x0], $0xffff  }
0x47: {  	v13 =	vsub.f32 v13, v8;
	v30 =	vadd.s32 s8, v1;
	v31 =	vld.idx.msk [tilespmem:v31+s2+$0x0], $0xffff;
	v22 =	vadd.f32 v23, v22  }
0x48: {  	s29 =	simm.s32 $0xC060;
	v25 =	vsub.f32 v25, v10;
	v28 =	vsub.f32 v28, v9;
	v23 =	vld.idx.msk [tilespmem:v26+s2+$0x0], $0xffff;
	v26 =	vadd.s32 s12, v3;
	[tilespmem:s0+$0xFFFFFFF0] =	vst v14  }
0x49: {  	v20 =	vsub.f32 v20, v9;
	v37 =	vshrl.u32 v22, $0x15;
	[tilespmem:s29+$0x10] =	vst v22;
	v22 =	vshrl.u32 v14, $0x15;
	v14 =	vld.idx.msk [tilespmem:v35+s2+$0x0], $0xffff  }
0x4a: {  	v13 =	vmul.f32 v13, v13;
	v16 =	vsub.f32 v16, v8;
	v21 =	vsub.f32 v21, v9;
	v27 =	vld.idx.msk [tilespmem:v27+s2+$0x0], $0xffff  }
0x4b: {  	v25 =	vmul.f32 v25, v25;
	v28 =	vmul.f32 v28, v28;
	v15 =	vld.idx.msk [tilespmem:v15+s2+$0x0], $0xffff;
	v17 =	vsub.f32 v17, v8  }
0x4c: {  	v13 =	vadd.f32 v13, v11;
	v20 =	vmul.f32 v20, v20;
	v30 =	vld.idx.msk [tilespmem:v30+s2+$0x0], $0xffff;
	v21 =	vmul.f32 v21, v21  }
0x4d: {  	v25 =	vadd.f32 v28, v25;
	v23 =	vsub.f32 v23, v8;
	v28 =	vmul.f32 v17, v17;
	v17 =	vld.idx.msk [tilespmem:v33+s2+$0x0], $0xffff  }
0x4e: {  	v16 =	vmul.f32 v16, v16;
	v21 =	vadd.f32 v21, v24;
	v24 =	vadd.f32 v20, v18;
	v20 =	vld.idx.msk [tilespmem:v26+s2+$0x0], $0xffff  }
0x4f: {  	v26 =	vld.idx.msk [tilespmem:v29+s2+$0x0], $0xffff;
	v29 =	vsub.f32 v36, v8;
	v55 =	vmul.f32 v23, v23;
	v23 =	vsub.f32 v31, v10  }
0x50: {  	v18 =	vld.idx.msk [tilespmem:v34+s2+$0x0], $0xffff;
	v16 =	vadd.f32 v16, v21;
	v21 =	vshrl.u32 v12, $0x15;
	v15 =	vsub.f32 v15, v10  }
0x51: {  	[tilespmem:v37+s15+$0x0] =	vst.idx.add.s32.msk $0xffff, v5;
	v31 =	vor.u32 s13, v1;
	v14 =	vsub.f32 v14, v8;
	v28 =	vadd.f32 v28, v25  }
0x52: {  	v34 =	vld.idx.msk [tilespmem:v57+s2+$0x0], $0xffff;
	v11 =	vsub.f32 v30, v10;
	v19 =	vmul.f32 v15, v15;
	v15 =	vsub.f32 v32, v9  }
0x53: {  	v36 =	vld.idx.msk [tilespmem:v59+s2+$0x0], $0xffff;
	v29 =	vmul.f32 v29, v29;
	v23 =	vmul.f32 v23, v23;
	[tilespmem:s29+$0x0] =	vst v28;
	v28 =	vshrl.u32 v28, $0x15  }
0x54: {  	[tilespmem:s0+$0x0] =	vst v12;
	v12 =	vld.idx.msk [tilespmem:v38+s2+$0x0], $0xffff;
	v30 =	vmul.f32 v11, v11;
	v11 =	vor.u32 s13, v4;
	v15 =	vmul.f32 v15, v15  }
0x55: {  	v17 =	vsub.f32 v17, v9;
	v18 =	vsub.f32 v18, v10;
	[tilespmem:v21+s15+$0x0] =	vst.idx.add.s32.msk $0xffff, v5;
	v21 =	vadd.s32 s21, v4  }
0x56: {  	[tilespmem:v22+s15+$0x0] =	vst.idx.add.s32.msk $0xffff, v5;
	v26 =	vsub.f32 v26, v9;
	v15 =	vadd.f32 v15, v30;
	v30 =	vadd.s32 s22, v1  }
0x57: {  	v20 =	vsub.f32 v20, v9;
	v62 =	vsub.f32 v34, v10;
	v31 =	vld.idx.msk [tilespmem:v31+s2+$0x0], $0xffff;
	v17 =	vmul.f32 v17, v17  }
0x58: {  	v63 =	vsub.f32 v36, v9;
	v40 =	vmul.f32 v18, v18;
	v18 =	vmul.f32 v26, v26  }
0x59: {  	v25 =	vld.idx.msk [tilespmem:v56+s2+$0x0], $0xffff;
	v12 =	vsub.f32 v12, v8;
	v20 =	vmul.f32 v20, v20;
	v22 =	vadd.f32 v29, v15  }
0x5a: {  	[tilespmem:s0+$0xFFFFFFE0] =	vst v13;
	v26 =	vsub.f32 v27, v8;
	v27 =	vadd.f32 v17, v23;
	v29 =	vadd.s32 s22, v4;
	v41 =	vld.idx.msk [tilespmem:v21+s2+$0x0], $0xffff  }
0x5b: {  	s30 =	simm.s32 $0xC0A0;
	[tilespmem:s29+$0xFFFFFFF0] =	vst v16;
	v18 =	vadd.f32 v18, v19;
	v17 =	vshrl.u32 v13, $0x15;
	v39 =	vshrl.u32 v22, $0x15;
	v30 =	vld.idx.msk [tilespmem:v30+s2+$0x0], $0xffff  }
0x5c: {  	v23 =	vld.idx.msk [tilespmem:v60+s2+$0x0], $0xffff;
	v15 =	vadd.s32 s24, v4;
	[tilespmem:s30+$0x10] =	vst v22;
	v22 =	vshrl.u32 v16, $0x15;
	v16 =	vsub.f32 v31, v10  }
0x5d: {  	v19 =	vmul.f32 v12, v12;
	v13 =	vadd.f32 v55, v24;
	v24 =	vld.idx.msk [tilespmem:v61+s2+$0x0], $0xffff;
	v31 =	vmul.f32 v14, v14  }
0x5e: {  	v12 =	vmul.f32 v26, v26;
	v21 =	vadd.f32 v20, v40;
	v20 =	vld.idx.msk [tilespmem:v58+s2+$0x0], $0xffff;
	v14 =	vmul.f32 v16, v16  }
0x5f: {  	v16 =	vadd.f32 v31, v27;
	v31 =	vmul.f32 v63, v63;
	v27 =	vld.idx.msk [tilespmem:v29+s2+$0x0], $0xffff;
	v29 =	vsub.f32 v41, v8  }
0x60: {  	s31 =	simm.s32 $0x300;
	s0 =	simm.s32 $0xC;
	[tilespmem:v39+s15+$0x0] =	vst.idx.add.s32.msk $0xffff, v5;
	v26 =	vsub.f32 v30, v10;
	v30 =	vmul.f32 v62, v62  }
.LBB2_5:
0x61: {  	v32 =	vor.u32 s31, v1;
	v33 =	vor.u32 s31, v3;
	v39 =	vor.u32 s31, v4;
	s1 =	sadd.s32 $0x30, s31;
	s3 =	sadd.s32 $0x60, s31;
	s5 =	sadd.s32 $0x90, s31;
	v35 =	vld.idx.msk [tilespmem:v15+s2+$0x0], $0xffff;
	[tilespmem:s30+$0xFFFFFFF0] =	vst v16;
	v36 =	vmovc v18;
	v37 =	vmovc v21  }
0x62: {  	s0 =	sadd.s32 $0x4, s0;
	v18 =	vadd.s32 s5, v1;
	v21 =	vld.idx.msk [tilespmem:v11+s2+$0x0], $0xffff;
	v15 =	vadd.f32 v31, v30;
	v29 =	vmul.f32 v29, v29;
	[tilespmem:s29+$0xFFFFFFE0] =	vst v13;
	s29 =	smov.u32 s30  }
0x63: {  	v34 =	vmovc v19;
	v30 =	vadd.s32 s1, v1;
	v31 =	vadd.s32 s1, v3;
	v38 =	vadd.s32 s5, v3;
	p0 =	slt.u32 s0, $0xFC;
	v11 =	vmovc v39;
	[tilespmem:v22+s15+$0x0] =	vst.idx.add.s32.msk $0xffff, v5  }
0x64: {  	v39 =	vadd.s32 s3, v1;
	v40 =	vadd.s32 s3, v3;
	v19 =	vadd.f32 v29, v15;
	[tilespmem:v28+s15+$0x0] =	vst.idx.add.s32.msk $0xffff, v5  }
0x65: {  	v22 =	vadd.s32 s5, v4;
	v29 =	vadd.s32 s1, v4;
	v15 =	vadd.s32 s3, v4;
	[tilespmem:v17+s15+$0x0] =	vst.idx.add.s32.msk $0xffff, v5  }
0x66: {  	v17 =	vsub.f32 v20, v9;
	v20 =	vsub.f32 v23, v10;
	v28 =	vld.idx.msk [tilespmem:v32+s2+$0x0], $0xffff;
	v23 =	vshrl.u32 v19, $0x15  }
0x67: {  	v24 =	vsub.f32 v24, v9;
	v32 =	vld.idx.msk [tilespmem:v18+s2+$0x0], $0xffff;
	v18 =	vsub.f32 v25, v9;
	v25 =	vmul.f32 v26, v26  }
0x68: {  	v27 =	vsub.f32 v27, v8;
	v17 =	vmul.f32 v17, v17;
	v20 =	vmul.f32 v20, v20;
	v26 =	vld.idx.msk [tilespmem:v38+s2+$0x0], $0xffff  }
0x69: {  	s30 =	sadd.s32 $0x40, s30;
	v24 =	vmul.f32 v24, v24;
	v35 =	vsub.f32 v35, v8;
	v30 =	vld.idx.msk [tilespmem:v30+s2+$0x0], $0xffff;
	v18 =	vmul.f32 v18, v18  }
0x6a: {  	v41 =	vsub.f32 v21, v8;
	v42 =	vadd.f32 v17, v25;
	v38 =	vld.idx.msk [tilespmem:v22+s2+$0x0], $0xffff;
	[tilespmem:s30+$0x10] =	vst v19;
	v22 =	vshrl.u32 v16, $0x15  }
0x6b: {  	v21 =	vadd.f32 v24, v20;
	v17 =	vshrl.u32 v13, $0x15;
	v18 =	vadd.f32 v18, v14;
	[tilespmem:v23+s15+$0x0] =	vst.idx.add.s32.msk $0xffff, v5  }
.Ltmp3:
0x6c: {  	v16 =	vmul.f32 v27, v27;
	v19 =	vmul.f32 v35, v35;
	v14 =	vsub.f32 v28, v10;
	v20 =	vld.idx.msk [tilespmem:v31+s2+$0x0], $0xffff;
	(pc) =	sbr.rel @p0 .LBB2_5-.Ltmp3, $4  }
0x6d: {  	v13 =	vadd.f32 v12, v36;
	v12 =	vmul.f32 v41, v41;
	v27 =	vadd.f32 v34, v37;
	v23 =	vld.idx.msk [tilespmem:v39+s2+$0x0], $0xffff  }
0x6e: {  	v31 =	vsub.f32 v32, v10;
	v14 =	vmul.f32 v14, v14;
	v32 =	vsub.f32 v26, v9;
	v24 =	vld.idx.msk [tilespmem:v40+s2+$0x0], $0xffff  }
0x6f: {  	v16 =	vadd.f32 v16, v42;
	v28 =	vshrl.u32 v27, $0x15;
	v26 =	vsub.f32 v30, v10;
	v25 =	vld.idx.msk [tilespmem:v33+s2+$0x0], $0xffff;
	[tilespmem:s29+$0x0] =	vst v27  }
0x70: {  	s31 =	sadd.s32 $0xC0, s31;
	v30 =	vmul.f32 v31, v31;
	v31 =	vmul.f32 v32, v32;
	v27 =	vld.idx.msk [tilespmem:v29+s2+$0x0], $0xffff;
	v29 =	vsub.f32 v38, v8  }
0x71: {  	_ =	sdelay $0x3  }
0x72: {  	[tilespmem:v22+s15+$0x0] =	vst.idx.add.s32.msk $0xffff, v5  }
0x73: {  	[tilespmem:v28+s15+$0x0] =	vst.idx.add.s32.msk $0xffff, v5  }
0x74: {  	v20 =	vsub.f32 v20, v9;
	[tilespmem:s30+$0xFFFFFFF0] =	vst v16  }
0x75: {  	v26 =	vmul.f32 v26, v26;
	[tilespmem:v17+s15+$0x0] =	vst.idx.add.s32.msk $0xffff, v5;
	v19 =	vadd.f32 v19, v21  }
0x76: {  	v15 =	vld.idx.msk [tilespmem:v15+s2+$0x0], $0xffff;
	[tilespmem:s29+$0xFFFFFFE0] =	vst v13;
	v16 =	vshrl.u32 v16, $0x15;
	v13 =	vshrl.u32 v13, $0x15;
	v12 =	vadd.f32 v12, v18  }
0x77: {  	v11 =	vld.idx.msk [tilespmem:v11+s2+$0x0], $0xffff;
	v30 =	vadd.f32 v31, v30;
	v29 =	vmul.f32 v29, v29;
	v22 =	vsub.f32 v23, v10  }
0x78: {  	v24 =	vsub.f32 v24, v9;
	v20 =	vmul.f32 v20, v20;
	[tilespmem:s30+$0xFFFFFFE0] =	vst v12;
	v12 =	vshrl.u32 v12, $0x15  }
0x79: {  	v29 =	vadd.f32 v29, v30;
	v25 =	vsub.f32 v25, v9;
	v22 =	vmul.f32 v22, v22  }
0x7a: {  	v27 =	vsub.f32 v27, v8;
	v24 =	vmul.f32 v24, v24;
	v20 =	vadd.f32 v20, v26  }
0x7b: {  	[tilespmem:s30+$0x0] =	vst v19;
	v23 =	vshrl.u32 v29, $0x15;
	v17 =	vmul.f32 v25, v25;
	v15 =	vsub.f32 v15, v8  }
0x7c: {  	v11 =	vsub.f32 v11, v8;
	[tilespmem:v16+s15+$0x0] =	vst.idx.add.s32.msk $0xffff, v5;
	v25 =	vmul.f32 v27, v27  }
0x7d: {  	s0 =	sadd.s32 $0x40, s30;
	[tilespmem:v13+s15+$0x0] =	vst.idx.add.s32.msk $0xffff, v5;
	v21 =	vadd.f32 v24, v22;
	v22 =	vshrl.u32 v19, $0x15;
	v15 =	vmul.f32 v15, v15  }
0x7e: {  	[tilespmem:s0+$0x10] =	vst v29;
	v14 =	vadd.f32 v17, v14;
	v11 =	vmul.f32 v11, v11;
	v20 =	vadd.f32 v25, v20  }
0x7f: {  	[tilespmem:v12+s15+$0x0] =	vst.idx.add.s32.msk $0xffff, v5;
	v15 =	vadd.f32 v15, v21  }
0x80: {  	v11 =	vadd.f32 v11, v14;
	[tilespmem:v23+s15+$0x0] =	vst.idx.add.s32.msk $0xffff, v5;
	v16 =	vshrl.u32 v20, $0x15  }
0x81: {  	[tilespmem:s0+$0xFFFFFFF0] =	vst v20;
	v14 =	vshrl.u32 v15, $0x15  }
0x82: {  	[tilespmem:v22+s15+$0x0] =	vst.idx.add.s32.msk $0xffff, v5;
	v13 =	vshrl.u32 v11, $0x15  }
0x83: {  	[tilespmem:s0+$0x0] =	vst v15  }
0x84: {  	[tilespmem:s0+$0xFFFFFFE0] =	vst v11  }
0x85: {  	s12 =	simm.s32 $0x3090;
	[tilespmem:v16+s15+$0x0] =	vst.idx.add.s32.msk $0xffff, v5  }
0x86: {  	v11 =	vadd.s32 s12, v1;
	[tilespmem:v14+s15+$0x0] =	vst.idx.add.s32.msk $0xffff, v5  }
0x87: {  	s13 =	simm.s32 $0x3030;
	v12 =	vadd.s32 s12, v3;
	[tilespmem:v13+s15+$0x0] =	vst.idx.add.s32.msk $0xffff, v5  }
0x88: {  	s3 =	simm.s32 $0x3060;
	v16 =	vadd.s32 s13, v3;
	_ =	swait.ge [sflag:s16], $0x3000  }
0x89: {  	v17 =	vadd.s32 s3, v1;
	[sflag:s16] =	ssyncset.done $0x0  }
0x8a: {  	s1 =	simm.s32 $0x3000;
	v18 =	vadd.s32 s3, v3;
	[sflag:s16] =	ssyncadd.s32 $0xFFFFD000  }
0x8b: {  	v19 =	vor.u32 s1, v3;
	v11 =	vld.idx.msk [tilespmem:v11+s2+$0x0], $0xffff  }
0x8c: {  	v22 =	vadd.s32 s3, v4;
	v12 =	vld.idx.msk [tilespmem:v12+s2+$0x0], $0xffff  }
0x8d: {  	v14 =	vadd.s32 s12, v4;
	v16 =	vld.idx.msk [tilespmem:v16+s2+$0x0], $0xffff  }
0x8e: {  	s5 =	simm.s32 $0x3120;
	s8 =	simm.s32 $0x3210;
	v13 =	vor.u32 s1, v1;
	v17 =	vld.idx.msk [tilespmem:v17+s2+$0x0], $0xffff  }
0x8f: {  	s11 =	simm.s32 $0x31B0;
	v28 =	vadd.s32 s5, v1;
	v31 =	vadd.s32 s5, v3;
	v32 =	vadd.s32 s8, v3;
	v18 =	vld.idx.msk [tilespmem:v18+s2+$0x0], $0xffff  }
0x90: {  	s21 =	simm.s32 $0x30C0;
	s22 =	simm.s32 $0x3150;
	v33 =	vadd.s32 s11, v3;
	v35 =	vadd.s32 s11, v4;
	v15 =	vadd.s32 s13, v1;
	v19 =	vld.idx.msk [tilespmem:v19+s2+$0x0], $0xffff  }
0x91: {  	v36 =	vadd.s32 s8, v4;
	v26 =	vor.u32 s21, v4;
	v29 =	vadd.s32 s22, v4;
	v22 =	vld.idx.msk [tilespmem:v22+s2+$0x0], $0xffff  }
0x92: {  	s24 =	simm.s32 $0x30F0;
	v24 =	vadd.s32 s22, v1;
	v25 =	vadd.s32 s22, v3;
	s22 =	simm.s32 $0x3270;
	v23 =	vor.u32 s21, v1;
	v14 =	vld.idx.msk [tilespmem:v14+s2+$0x0], $0xffff  }
0x93: {  	v27 =	vadd.s32 s24, v1;
	v21 =	vor.u32 s1, v4;
	v58 =	vadd.s32 s22, v3;
	v13 =	vld.idx.msk [tilespmem:v13+s2+$0x0], $0xffff  }
0x94: {  	v20 =	vadd.s32 s13, v4;
	s13 =	simm.s32 $0x3240;
	v11 =	vsub.f32 v11, v10;
	v12 =	vsub.f32 v12, v9  }
0x95: {  	s12 =	simm.s32 $0x31E0;
	v56 =	vor.u32 s13, v3;
	v15 =	vld.idx.msk [tilespmem:v15+s2+$0x0], $0xffff;
	v16 =	vsub.f32 v16, v9;
	v17 =	vsub.f32 v17, v10  }
0x96: {  	v34 =	vadd.s32 s12, v1;
	v19 =	vsub.f32 v19, v9;
	v18 =	vsub.f32 v18, v9  }
0x97: {  	v23 =	vld.idx.msk [tilespmem:v23+s2+$0x0], $0xffff;
	v14 =	vsub.f32 v14, v8;
	v11 =	vmul.f32 v11, v11;
	v12 =	vmul.f32 v12, v12  }
0x98: {  	v38 =	vadd.s32 s12, v4;
	v24 =	vld.idx.msk [tilespmem:v24+s2+$0x0], $0xffff;
	v22 =	vsub.f32 v22, v8;
	v13 =	vsub.f32 v13, v10  }
0x99: {  	v25 =	vld.idx.msk [tilespmem:v25+s2+$0x0], $0xffff;
	v16 =	vmul.f32 v16, v16;
	v11 =	vadd.f32 v12, v11;
	v12 =	vmul.f32 v14, v14  }
0x9a: {  	v27 =	vld.idx.msk [tilespmem:v27+s2+$0x0], $0xffff;
	v17 =	vmul.f32 v17, v17;
	v19 =	vmul.f32 v19, v19;
	v14 =	vsub.f32 v15, v10  }
0x9b: {  	v18 =	vmul.f32 v18, v18;
	v15 =	vld.idx.msk [tilespmem:v20+s2+$0x0], $0xffff;
	v20 =	vor.u32 s21, v3;
	s21 =	simm.s32 $0x32D0;
	v11 =	vadd.f32 v12, v11  }
0x9c: {  	v29 =	vld.idx.msk [tilespmem:v29+s2+$0x0], $0xffff;
	v13 =	vmul.f32 v13, v13;
	v57 =	vadd.s32 s21, v1;
	v14 =	vmul.f32 v14, v14  }
0x9d: {  	s0 =	simm.s32 $0xD030;
	v59 =	vadd.s32 s21, v3;
	v12 =	vld.idx.msk [tilespmem:v21+s2+$0x0], $0xffff;
	v21 =	vadd.s32 s24, v3;
	v30 =	vshrl.u32 v11, $0x15  }
0x9e: {  	v32 =	vld.idx.msk [tilespmem:v32+s2+$0x0], $0xffff;
	v14 =	vadd.f32 v16, v14;
	v16 =	vadd.s32 s24, v4;
	[tilespmem:s0+$0x0] =	vst v11;
	v11 =	vadd.f32 v19, v13  }
0x9f: {  	v36 =	vld.idx.msk [tilespmem:v36+s2+$0x0], $0xffff;
	v13 =	vadd.f32 v18, v17;
	v17 =	vadd.s32 s5, v4;
	v18 =	vsub.f32 v23, v10  }
0xa0: {  	v19 =	vmul.f32 v22, v22;
	v22 =	vsub.f32 v24, v10;
	v23 =	vsub.f32 v25, v9;
	v25 =	vld.idx.msk [tilespmem:v28+s2+$0x0], $0xffff  }
0xa1: {  	v24 =	vsub.f32 v27, v10;
	v27 =	vsub.f32 v29, v8;
	v28 =	vld.idx.msk [tilespmem:v31+s2+$0x0], $0xffff;
	v31 =	vadd.s32 s11, v1  }
0xa2: {  	s5 =	simm.s32 $0x3180;
	v15 =	vsub.f32 v15, v8;
	v20 =	vld.idx.msk [tilespmem:v20+s2+$0x0], $0xffff;
	v18 =	vmul.f32 v18, v18;
	v22 =	vmul.f32 v22, v22  }
0xa3: {  	s24 =	simm.s32 $0x32A0;
	v29 =	vor.u32 s5, v3;
	v23 =	vmul.f32 v23, v23;
	v24 =	vmul.f32 v24, v24;
	v21 =	vld.idx.msk [tilespmem:v21+s2+$0x0], $0xffff  }
0xa4: {  	v60 =	vadd.s32 s24, v1;
	v12 =	vsub.f32 v12, v8;
	v15 =	vmul.f32 v15, v15;
	[tilespmem:v30+s15+$0x0] =	vst.idx.add.s32.msk $0xffff, v5  }
0xa5: {  	v22 =	vadd.f32 v23, v22;
	v23 =	vmul.f32 v27, v27;
	v27 =	vor.u32 s5, v4;
	v16 =	vld.idx.msk [tilespmem:v16+s2+$0x0], $0xffff  }
0xa6: {  	v13 =	vadd.f32 v19, v13;
	v14 =	vadd.f32 v15, v14;
	v15 =	vor.u32 s5, v1;
	v17 =	vld.idx.msk [tilespmem:v17+s2+$0x0], $0xffff  }
0xa7: {  	v12 =	vmul.f32 v12, v12;
	v30 =	vadd.s32 s8, v1;
	v31 =	vld.idx.msk [tilespmem:v31+s2+$0x0], $0xffff;
	v22 =	vadd.f32 v23, v22  }
0xa8: {  	s29 =	simm.s32 $0xD070;
	v61 =	vadd.s32 s24, v3;
	v25 =	vsub.f32 v25, v10;
	v28 =	vsub.f32 v28, v9;
	v23 =	vld.idx.msk [tilespmem:v26+s2+$0x0], $0xffff;
	[tilespmem:s0+$0xFFFFFFE0] =	vst v14  }
0xa9: {  	v26 =	vadd.s32 s12, v3;
	v37 =	vshrl.u32 v22, $0x15;
	[tilespmem:s29+$0x0] =	vst v22;
	v22 =	vshrl.u32 v14, $0x15;
	v14 =	vld.idx.msk [tilespmem:v35+s2+$0x0], $0xffff  }
0xaa: {  	v20 =	vsub.f32 v20, v9;
	v25 =	vmul.f32 v25, v25;
	v21 =	vsub.f32 v21, v9;
	v27 =	vld.idx.msk [tilespmem:v27+s2+$0x0], $0xffff  }
0xab: {  	v28 =	vmul.f32 v28, v28;
	v12 =	vadd.f32 v12, v11;
	v15 =	vld.idx.msk [tilespmem:v15+s2+$0x0], $0xffff;
	v17 =	vsub.f32 v17, v8  }
0xac: {  	v20 =	vmul.f32 v20, v20;
	v30 =	vld.idx.msk [tilespmem:v30+s2+$0x0], $0xffff;
	v16 =	vsub.f32 v16, v8;
	v21 =	vmul.f32 v21, v21  }
0xad: {  	v25 =	vadd.f32 v28, v25;
	v23 =	vsub.f32 v23, v8;
	v28 =	vmul.f32 v17, v17;
	v17 =	vld.idx.msk [tilespmem:v33+s2+$0x0], $0xffff  }
0xae: {  	v21 =	vadd.f32 v21, v24;
	v24 =	vadd.f32 v20, v18;
	v16 =	vmul.f32 v16, v16;
	v20 =	vld.idx.msk [tilespmem:v26+s2+$0x0], $0xffff  }
0xaf: {  	v26 =	vld.idx.msk [tilespmem:v29+s2+$0x0], $0xffff;
	v29 =	vsub.f32 v36, v8;
	v55 =	vmul.f32 v23, v23;
	v23 =	vsub.f32 v31, v10  }
0xb0: {  	v18 =	vld.idx.msk [tilespmem:v34+s2+$0x0], $0xffff;
	v16 =	vadd.f32 v16, v21;
	v21 =	vshrl.u32 v13, $0x15;
	v15 =	vsub.f32 v15, v10  }
0xb1: {  	[tilespmem:v37+s15+$0x0] =	vst.idx.add.s32.msk $0xffff, v5;
	v31 =	vor.u32 s13, v1;
	v14 =	vsub.f32 v14, v8;
	v28 =	vadd.f32 v28, v25  }
0xb2: {  	v34 =	vld.idx.msk [tilespmem:v57+s2+$0x0], $0xffff;
	v11 =	vsub.f32 v30, v10;
	v19 =	vmul.f32 v15, v15;
	v15 =	vsub.f32 v32, v9  }
0xb3: {  	v36 =	vld.idx.msk [tilespmem:v59+s2+$0x0], $0xffff;
	v29 =	vmul.f32 v29, v29;
	v23 =	vmul.f32 v23, v23;
	[tilespmem:s29+$0xFFFFFFF0] =	vst v28;
	v28 =	vshrl.u32 v28, $0x15  }
0xb4: {  	[tilespmem:s0+$0xFFFFFFF0] =	vst v13;
	v13 =	vld.idx.msk [tilespmem:v38+s2+$0x0], $0xffff;
	v30 =	vmul.f32 v11, v11;
	v11 =	vor.u32 s13, v4;
	v15 =	vmul.f32 v15, v15  }
0xb5: {  	v17 =	vsub.f32 v17, v9;
	v18 =	vsub.f32 v18, v10;
	[tilespmem:v21+s15+$0x0] =	vst.idx.add.s32.msk $0xffff, v5;
	v21 =	vadd.s32 s21, v4  }
0xb6: {  	[tilespmem:v22+s15+$0x0] =	vst.idx.add.s32.msk $0xffff, v5;
	v26 =	vsub.f32 v26, v9;
	v15 =	vadd.f32 v15, v30;
	v30 =	vadd.s32 s22, v1  }
0xb7: {  	v20 =	vsub.f32 v20, v9;
	v62 =	vsub.f32 v34, v10;
	v31 =	vld.idx.msk [tilespmem:v31+s2+$0x0], $0xffff;
	v17 =	vmul.f32 v17, v17  }
0xb8: {  	v63 =	vsub.f32 v36, v9;
	v40 =	vmul.f32 v18, v18;
	v18 =	vmul.f32 v26, v26  }
0xb9: {  	v25 =	vld.idx.msk [tilespmem:v56+s2+$0x0], $0xffff;
	v13 =	vsub.f32 v13, v8;
	v20 =	vmul.f32 v20, v20;
	v22 =	vadd.f32 v29, v15  }
0xba: {  	[tilespmem:s0+$0xFFFFFFD0] =	vst v12;
	v26 =	vsub.f32 v27, v8;
	v27 =	vadd.f32 v17, v23;
	v29 =	vadd.s32 s22, v4;
	v41 =	vld.idx.msk [tilespmem:v21+s2+$0x0], $0xffff  }
0xbb: {  	s30 =	simm.s32 $0xD0B0;
	[tilespmem:s29+$0xFFFFFFE0] =	vst v16;
	v18 =	vadd.f32 v18, v19;
	v17 =	vshrl.u32 v12, $0x15;
	v39 =	vshrl.u32 v22, $0x15;
	v30 =	vld.idx.msk [tilespmem:v30+s2+$0x0], $0xffff  }
0xbc: {  	v23 =	vld.idx.msk [tilespmem:v60+s2+$0x0], $0xffff;
	v15 =	vadd.s32 s24, v4;
	[tilespmem:s30+$0x0] =	vst v22;
	v22 =	vshrl.u32 v16, $0x15;
	v16 =	vsub.f32 v31, v10  }
0xbd: {  	v19 =	vmul.f32 v13, v13;
	v13 =	vadd.f32 v55, v24;
	v24 =	vld.idx.msk [tilespmem:v61+s2+$0x0], $0xffff;
	v31 =	vmul.f32 v14, v14  }
0xbe: {  	v12 =	vmul.f32 v26, v26;
	v21 =	vadd.f32 v20, v40;
	v20 =	vld.idx.msk [tilespmem:v58+s2+$0x0], $0xffff;
	v14 =	vmul.f32 v16, v16  }
0xbf: {  	v16 =	vadd.f32 v31, v27;
	v31 =	vmul.f32 v63, v63;
	v27 =	vld.idx.msk [tilespmem:v29+s2+$0x0], $0xffff;
	v29 =	vsub.f32 v41, v8  }
0xc0: {  	s31 =	simm.s32 $0x3300;
	s0 =	simm.s32 $0x10C;
	[tilespmem:v39+s15+$0x0] =	vst.idx.add.s32.msk $0xffff, v5;
	v26 =	vsub.f32 v30, v10;
	v30 =	vmul.f32 v62, v62  }
.LBB2_7:
0xc1: {  	v32 =	vor.u32 s31, v1;
	v33 =	vor.u32 s31, v3;
	v39 =	vor.u32 s31, v4;
	s1 =	sadd.s32 $0x30, s31;
	s3 =	sadd.s32 $0x60, s31;
	s5 =	sadd.s32 $0x90, s31;
	v35 =	vld.idx.msk [tilespmem:v15+s2+$0x0], $0xffff;
	[tilespmem:s30+$0xFFFFFFE0] =	vst v16;
	v36 =	vmovc v18;
	v37 =	vmovc v21  }
0xc2: {  	s0 =	sadd.s32 $0x4, s0;
	v18 =	vadd.s32 s5, v1;
	v21 =	vld.idx.msk [tilespmem:v11+s2+$0x0], $0xffff;
	v15 =	vadd.f32 v31, v30;
	v29 =	vmul.f32 v29, v29;
	[tilespmem:s29+$0xFFFFFFD0] =	vst v13;
	s29 =	smov.u32 s30  }
0xc3: {  	v34 =	vmovc v19;
	v30 =	vadd.s32 s1, v1;
	v31 =	vadd.s32 s1, v3;
	v38 =	vadd.s32 s5, v3;
	p0 =	slt.u32 s0, $0x1FC;
	v11 =	vmovc v39;
	[tilespmem:v22+s15+$0x0] =	vst.idx.add.s32.msk $0xffff, v5  }
0xc4: {  	v39 =	vadd.s32 s3, v1;
	v40 =	vadd.s32 s3, v3;
	v19 =	vadd.f32 v29, v15;
	[tilespmem:v28+s15+$0x0] =	vst.idx.add.s32.msk $0xffff, v5  }
0xc5: {  	v22 =	vadd.s32 s5, v4;
	v29 =	vadd.s32 s1, v4;
	v15 =	vadd.s32 s3, v4;
	[tilespmem:v17+s15+$0x0] =	vst.idx.add.s32.msk $0xffff, v5  }
0xc6: {  	v17 =	vsub.f32 v20, v9;
	v20 =	vsub.f32 v23, v10;
	v28 =	vld.idx.msk [tilespmem:v32+s2+$0x0], $0xffff;
	v23 =	vshrl.u32 v19, $0x15  }
0xc7: {  	v24 =	vsub.f32 v24, v9;
	v32 =	vld.idx.msk [tilespmem:v18+s2+$0x0], $0xffff;
	v18 =	vsub.f32 v25, v9;
	v25 =	vmul.f32 v26, v26  }
0xc8: {  	v27 =	vsub.f32 v27, v8;
	v17 =	vmul.f32 v17, v17;
	v20 =	vmul.f32 v20, v20;
	v26 =	vld.idx.msk [tilespmem:v38+s2+$0x0], $0xffff  }
0xc9: {  	s30 =	sadd.s32 $0x40, s30;
	v24 =	vmul.f32 v24, v24;
	v35 =	vsub.f32 v35, v8;
	v30 =	vld.idx.msk [tilespmem:v30+s2+$0x0], $0xffff;
	v18 =	vmul.f32 v18, v18  }
0xca: {  	v41 =	vsub.f32 v21, v8;
	v42 =	vadd.f32 v17, v25;
	v38 =	vld.idx.msk [tilespmem:v22+s2+$0x0], $0xffff;
	[tilespmem:s30+$0x0] =	vst v19;
	v22 =	vshrl.u32 v16, $0x15  }
0xcb: {  	v21 =	vadd.f32 v24, v20;
	v17 =	vshrl.u32 v13, $0x15;
	v18 =	vadd.f32 v18, v14;
	[tilespmem:v23+s15+$0x0] =	vst.idx.add.s32.msk $0xffff, v5  }
.Ltmp4:
0xcc: {  	v16 =	vmul.f32 v27, v27;
	v19 =	vmul.f32 v35, v35;
	v14 =	vsub.f32 v28, v10;
	v20 =	vld.idx.msk [tilespmem:v31+s2+$0x0], $0xffff;
	(pc) =	sbr.rel @p0 .LBB2_7-.Ltmp4, $4  }
0xcd: {  	v13 =	vadd.f32 v12, v36;
	v12 =	vmul.f32 v41, v41;
	v27 =	vadd.f32 v34, v37;
	v23 =	vld.idx.msk [tilespmem:v39+s2+$0x0], $0xffff  }
0xce: {  	v31 =	vsub.f32 v32, v10;
	v14 =	vmul.f32 v14, v14;
	v32 =	vsub.f32 v26, v9;
	v24 =	vld.idx.msk [tilespmem:v40+s2+$0x0], $0xffff  }
0xcf: {  	v16 =	vadd.f32 v16, v42;
	v28 =	vshrl.u32 v27, $0x15;
	v26 =	vsub.f32 v30, v10;
	v25 =	vld.idx.msk [tilespmem:v33+s2+$0x0], $0xffff;
	[tilespmem:s29+$0xFFFFFFF0] =	vst v27  }
0xd0: {  	s31 =	sadd.s32 $0xC0, s31;
	v30 =	vmul.f32 v31, v31;
	v31 =	vmul.f32 v32, v32;
	v27 =	vld.idx.msk [tilespmem:v29+s2+$0x0], $0xffff;
	v29 =	vsub.f32 v38, v8  }
0xd1: {  	_ =	sdelay $0x3  }
0xd2: {  	[tilespmem:v22+s15+$0x0] =	vst.idx.add.s32.msk $0xffff, v5  }
0xd3: {  	[tilespmem:v28+s15+$0x0] =	vst.idx.add.s32.msk $0xffff, v5  }
0xd4: {  	v20 =	vsub.f32 v20, v9;
	[tilespmem:s30+$0xFFFFFFE0] =	vst v16  }
0xd5: {  	v26 =	vmul.f32 v26, v26;
	[tilespmem:v17+s15+$0x0] =	vst.idx.add.s32.msk $0xffff, v5;
	v19 =	vadd.f32 v19, v21  }
0xd6: {  	v15 =	vld.idx.msk [tilespmem:v15+s2+$0x0], $0xffff;
	[tilespmem:s29+$0xFFFFFFD0] =	vst v13;
	v16 =	vshrl.u32 v16, $0x15;
	v13 =	vshrl.u32 v13, $0x15;
	v12 =	vadd.f32 v12, v18  }
0xd7: {  	v11 =	vld.idx.msk [tilespmem:v11+s2+$0x0], $0xffff;
	v30 =	vadd.f32 v31, v30;
	v29 =	vmul.f32 v29, v29;
	v22 =	vsub.f32 v23, v10  }
0xd8: {  	v24 =	vsub.f32 v24, v9;
	v20 =	vmul.f32 v20, v20;
	[tilespmem:s30+$0xFFFFFFD0] =	vst v12;
	v12 =	vshrl.u32 v12, $0x15  }
0xd9: {  	v29 =	vadd.f32 v29, v30;
	v25 =	vsub.f32 v25, v9;
	v22 =	vmul.f32 v22, v22  }
0xda: {  	v27 =	vsub.f32 v27, v8;
	v24 =	vmul.f32 v24, v24;
	v20 =	vadd.f32 v20, v26  }
0xdb: {  	[tilespmem:s30+$0xFFFFFFF0] =	vst v19;
	v23 =	vshrl.u32 v29, $0x15;
	v17 =	vmul.f32 v25, v25;
	v15 =	vsub.f32 v15, v8  }
0xdc: {  	v11 =	vsub.f32 v11, v8;
	[tilespmem:v16+s15+$0x0] =	vst.idx.add.s32.msk $0xffff, v5;
	v25 =	vmul.f32 v27, v27  }
0xdd: {  	s0 =	sadd.s32 $0x40, s30;
	[tilespmem:v13+s15+$0x0] =	vst.idx.add.s32.msk $0xffff, v5;
	v21 =	vadd.f32 v24, v22;
	v22 =	vshrl.u32 v19, $0x15;
	v15 =	vmul.f32 v15, v15  }
0xde: {  	[tilespmem:s0+$0x0] =	vst v29;
	v14 =	vadd.f32 v17, v14;
	v11 =	vmul.f32 v11, v11;
	v20 =	vadd.f32 v25, v20  }
0xdf: {  	[tilespmem:v12+s15+$0x0] =	vst.idx.add.s32.msk $0xffff, v5;
	v15 =	vadd.f32 v15, v21  }
0xe0: {  	v11 =	vadd.f32 v11, v14;
	[tilespmem:v23+s15+$0x0] =	vst.idx.add.s32.msk $0xffff, v5;
	v16 =	vshrl.u32 v20, $0x15  }
0xe1: {  	[tilespmem:s0+$0xFFFFFFE0] =	vst v20;
	v14 =	vshrl.u32 v15, $0x15  }
0xe2: {  	[tilespmem:v22+s15+$0x0] =	vst.idx.add.s32.msk $0xffff, v5;
	v13 =	vshrl.u32 v11, $0x15  }
0xe3: {  	[tilespmem:s0+$0xFFFFFFF0] =	vst v15  }
0xe4: {  	[tilespmem:s0+$0xFFFFFFD0] =	vst v11  }
0xe5: {  	s12 =	simm.s32 $0x6090;
	[tilespmem:v16+s15+$0x0] =	vst.idx.add.s32.msk $0xffff, v5  }
0xe6: {  	v11 =	vadd.s32 s12, v1;
	[tilespmem:v14+s15+$0x0] =	vst.idx.add.s32.msk $0xffff, v5  }
0xe7: {  	s13 =	simm.s32 $0x6030;
	v12 =	vadd.s32 s12, v3;
	[tilespmem:v13+s15+$0x0] =	vst.idx.add.s32.msk $0xffff, v5  }
0xe8: {  	s3 =	simm.s32 $0x6060;
	v16 =	vadd.s32 s13, v3;
	_ =	swait.ge [sflag:s17], $0x3000  }
0xe9: {  	v17 =	vadd.s32 s3, v1;
	[sflag:s17] =	ssyncset.done $0x0  }
0xea: {  	s1 =	simm.s32 $0x6000;
	v18 =	vadd.s32 s3, v3;
	[sflag:s17] =	ssyncadd.s32 $0xFFFFD000  }
0xeb: {  	v19 =	vor.u32 s1, v3;
	v11 =	vld.idx.msk [tilespmem:v11+s2+$0x0], $0xffff  }
0xec: {  	v22 =	vadd.s32 s3, v4;
	v12 =	vld.idx.msk [tilespmem:v12+s2+$0x0], $0xffff  }
0xed: {  	v14 =	vadd.s32 s12, v4;
	v16 =	vld.idx.msk [tilespmem:v16+s2+$0x0], $0xffff  }
0xee: {  	s5 =	simm.s32 $0x6120;
	s8 =	simm.s32 $0x6210;
	v13 =	vor.u32 s1, v1;
	v17 =	vld.idx.msk [tilespmem:v17+s2+$0x0], $0xffff  }
0xef: {  	s11 =	simm.s32 $0x61B0;
	v28 =	vadd.s32 s5, v1;
	v31 =	vadd.s32 s5, v3;
	v32 =	vadd.s32 s8, v3;
	v18 =	vld.idx.msk [tilespmem:v18+s2+$0x0], $0xffff  }
0xf0: {  	s21 =	simm.s32 $0x60C0;
	s22 =	simm.s32 $0x6150;
	v33 =	vadd.s32 s11, v3;
	v35 =	vadd.s32 s11, v4;
	v15 =	vadd.s32 s13, v1;
	v19 =	vld.idx.msk [tilespmem:v19+s2+$0x0], $0xffff  }
0xf1: {  	v36 =	vadd.s32 s8, v4;
	v26 =	vor.u32 s21, v4;
	v29 =	vadd.s32 s22, v4;
	v22 =	vld.idx.msk [tilespmem:v22+s2+$0x0], $0xffff  }
0xf2: {  	s24 =	simm.s32 $0x60F0;
	v24 =	vadd.s32 s22, v1;
	v25 =	vadd.s32 s22, v3;
	s22 =	simm.s32 $0x6270;
	v23 =	vor.u32 s21, v1;
	v14 =	vld.idx.msk [tilespmem:v14+s2+$0x0], $0xffff  }
0xf3: {  	v27 =	vadd.s32 s24, v1;
	v21 =	vor.u32 s1, v4;
	v58 =	vadd.s32 s22, v3;
	v13 =	vld.idx.msk [tilespmem:v13+s2+$0x0], $0xffff  }
0xf4: {  	v20 =	vadd.s32 s13, v4;
	s13 =	simm.s32 $0x6240;
	v11 =	vsub.f32 v11, v10;
	v12 =	vsub.f32 v12, v9  }
0xf5: {  	s12 =	simm.s32 $0x61E0;
	v56 =	vor.u32 s13, v3;
	v15 =	vld.idx.msk [tilespmem:v15+s2+$0x0], $0xffff;
	v16 =	vsub.f32 v16, v9;
	v17 =	vsub.f32 v17, v10  }
0xf6: {  	v34 =	vadd.s32 s12, v1;
	v19 =	vsub.f32 v19, v9;
	v18 =	vsub.f32 v18, v9  }
0xf7: {  	v23 =	vld.idx.msk [tilespmem:v23+s2+$0x0], $0xffff;
	v14 =	vsub.f32 v14, v8;
	v11 =	vmul.f32 v11, v11;
	v12 =	vmul.f32 v12, v12  }
0xf8: {  	v38 =	vadd.s32 s12, v4;
	v24 =	vld.idx.msk [tilespmem:v24+s2+$0x0], $0xffff;
	v22 =	vsub.f32 v22, v8;
	v13 =	vsub.f32 v13, v10  }
0xf9: {  	v25 =	vld.idx.msk [tilespmem:v25+s2+$0x0], $0xffff;
	v16 =	vmul.f32 v16, v16;
	v11 =	vadd.f32 v12, v11;
	v12 =	vmul.f32 v14, v14  }
0xfa: {  	v27 =	vld.idx.msk [tilespmem:v27+s2+$0x0], $0xffff;
	v17 =	vmul.f32 v17, v17;
	v19 =	vmul.f32 v19, v19;
	v14 =	vsub.f32 v15, v10  }
0xfb: {  	v18 =	vmul.f32 v18, v18;
	v15 =	vld.idx.msk [tilespmem:v20+s2+$0x0], $0xffff;
	v20 =	vor.u32 s21, v3;
	s21 =	simm.s32 $0x62D0;
	v11 =	vadd.f32 v12, v11  }
0xfc: {  	v29 =	vld.idx.msk [tilespmem:v29+s2+$0x0], $0xffff;
	v13 =	vmul.f32 v13, v13;
	v57 =	vadd.s32 s21, v1;
	v14 =	vmul.f32 v14, v14  }
0xfd: {  	s0 =	simm.s32 $0xE030;
	v59 =	vadd.s32 s21, v3;
	v12 =	vld.idx.msk [tilespmem:v21+s2+$0x0], $0xffff;
	v21 =	vadd.s32 s24, v3;
	v30 =	vshrl.u32 v11, $0x15  }
0xfe: {  	v32 =	vld.idx.msk [tilespmem:v32+s2+$0x0], $0xffff;
	v14 =	vadd.f32 v16, v14;
	v16 =	vadd.s32 s24, v4;
	[tilespmem:s0+$0x0] =	vst v11;
	v11 =	vadd.f32 v19, v13  }
0xff: {  	v36 =	vld.idx.msk [tilespmem:v36+s2+$0x0], $0xffff;
	v13 =	vadd.f32 v18, v17;
	v17 =	vadd.s32 s5, v4;
	v18 =	vsub.f32 v23, v10  }
0x100: {  	v19 =	vmul.f32 v22, v22;
	v22 =	vsub.f32 v24, v10;
	v23 =	vsub.f32 v25, v9;
	v25 =	vld.idx.msk [tilespmem:v28+s2+$0x0], $0xffff  }
0x101: {  	v24 =	vsub.f32 v27, v10;
	v27 =	vsub.f32 v29, v8;
	v28 =	vld.idx.msk [tilespmem:v31+s2+$0x0], $0xffff;
	v31 =	vadd.s32 s11, v1  }
0x102: {  	s5 =	simm.s32 $0x6180;
	v15 =	vsub.f32 v15, v8;
	v20 =	vld.idx.msk [tilespmem:v20+s2+$0x0], $0xffff;
	v18 =	vmul.f32 v18, v18;
	v22 =	vmul.f32 v22, v22  }
0x103: {  	s24 =	simm.s32 $0x62A0;
	v29 =	vor.u32 s5, v3;
	v23 =	vmul.f32 v23, v23;
	v24 =	vmul.f32 v24, v24;
	v21 =	vld.idx.msk [tilespmem:v21+s2+$0x0], $0xffff  }
0x104: {  	v60 =	vadd.s32 s24, v1;
	v12 =	vsub.f32 v12, v8;
	v15 =	vmul.f32 v15, v15;
	[tilespmem:v30+s15+$0x0] =	vst.idx.add.s32.msk $0xffff, v5  }
0x105: {  	v22 =	vadd.f32 v23, v22;
	v23 =	vmul.f32 v27, v27;
	v27 =	vor.u32 s5, v4;
	v16 =	vld.idx.msk [tilespmem:v16+s2+$0x0], $0xffff  }
0x106: {  	v13 =	vadd.f32 v19, v13;
	v14 =	vadd.f32 v15, v14;
	v15 =	vor.u32 s5, v1;
	v17 =	vld.idx.msk [tilespmem:v17+s2+$0x0], $0xffff  }
0x107: {  	v12 =	vmul.f32 v12, v12;
	v30 =	vadd.s32 s8, v1;
	v31 =	vld.idx.msk [tilespmem:v31+s2+$0x0], $0xffff;
	v22 =	vadd.f32 v23, v22  }
0x108: {  	s29 =	simm.s32 $0xE070;
	v61 =	vadd.s32 s24, v3;
	v25 =	vsub.f32 v25, v10;
	v28 =	vsub.f32 v28, v9;
	v23 =	vld.idx.msk [tilespmem:v26+s2+$0x0], $0xffff;
	[tilespmem:s0+$0xFFFFFFE0] =	vst v14  }
0x109: {  	v26 =	vadd.s32 s12, v3;
	v37 =	vshrl.u32 v22, $0x15;
	[tilespmem:s29+$0x0] =	vst v22;
	v22 =	vshrl.u32 v14, $0x15;
	v14 =	vld.idx.msk [tilespmem:v35+s2+$0x0], $0xffff  }
0x10a: {  	v20 =	vsub.f32 v20, v9;
	v25 =	vmul.f32 v25, v25;
	v21 =	vsub.f32 v21, v9;
	v27 =	vld.idx.msk [tilespmem:v27+s2+$0x0], $0xffff  }
0x10b: {  	v28 =	vmul.f32 v28, v28;
	v12 =	vadd.f32 v12, v11;
	v15 =	vld.idx.msk [tilespmem:v15+s2+$0x0], $0xffff;
	v17 =	vsub.f32 v17, v8  }
0x10c: {  	v20 =	vmul.f32 v20, v20;
	v30 =	vld.idx.msk [tilespmem:v30+s2+$0x0], $0xffff;
	v16 =	vsub.f32 v16, v8;
	v21 =	vmul.f32 v21, v21  }
0x10d: {  	v25 =	vadd.f32 v28, v25;
	v23 =	vsub.f32 v23, v8;
	v28 =	vmul.f32 v17, v17;
	v17 =	vld.idx.msk [tilespmem:v33+s2+$0x0], $0xffff  }
0x10e: {  	v21 =	vadd.f32 v21, v24;
	v24 =	vadd.f32 v20, v18;
	v16 =	vmul.f32 v16, v16;
	v20 =	vld.idx.msk [tilespmem:v26+s2+$0x0], $0xffff  }
0x10f: {  	v26 =	vld.idx.msk [tilespmem:v29+s2+$0x0], $0xffff;
	v29 =	vsub.f32 v36, v8;
	v55 =	vmul.f32 v23, v23;
	v23 =	vsub.f32 v31, v10  }
0x110: {  	v18 =	vld.idx.msk [tilespmem:v34+s2+$0x0], $0xffff;
	v16 =	vadd.f32 v16, v21;
	v21 =	vshrl.u32 v13, $0x15;
	v15 =	vsub.f32 v15, v10  }
0x111: {  	[tilespmem:v37+s15+$0x0] =	vst.idx.add.s32.msk $0xffff, v5;
	v31 =	vor.u32 s13, v1;
	v14 =	vsub.f32 v14, v8;
	v28 =	vadd.f32 v28, v25  }
0x112: {  	v34 =	vld.idx.msk [tilespmem:v57+s2+$0x0], $0xffff;
	v11 =	vsub.f32 v30, v10;
	v19 =	vmul.f32 v15, v15;
	v15 =	vsub.f32 v32, v9  }
0x113: {  	v36 =	vld.idx.msk [tilespmem:v59+s2+$0x0], $0xffff;
	v29 =	vmul.f32 v29, v29;
	v23 =	vmul.f32 v23, v23;
	[tilespmem:s29+$0xFFFFFFF0] =	vst v28;
	v28 =	vshrl.u32 v28, $0x15  }
0x114: {  	[tilespmem:s0+$0xFFFFFFF0] =	vst v13;
	v13 =	vld.idx.msk [tilespmem:v38+s2+$0x0], $0xffff;
	v30 =	vmul.f32 v11, v11;
	v11 =	vor.u32 s13, v4;
	v15 =	vmul.f32 v15, v15  }
0x115: {  	v17 =	vsub.f32 v17, v9;
	v18 =	vsub.f32 v18, v10;
	[tilespmem:v21+s15+$0x0] =	vst.idx.add.s32.msk $0xffff, v5;
	v21 =	vadd.s32 s21, v4  }
0x116: {  	[tilespmem:v22+s15+$0x0] =	vst.idx.add.s32.msk $0xffff, v5;
	v26 =	vsub.f32 v26, v9;
	v15 =	vadd.f32 v15, v30;
	v30 =	vadd.s32 s22, v1  }
0x117: {  	v20 =	vsub.f32 v20, v9;
	v62 =	vsub.f32 v34, v10;
	v31 =	vld.idx.msk [tilespmem:v31+s2+$0x0], $0xffff;
	v17 =	vmul.f32 v17, v17  }
0x118: {  	v63 =	vsub.f32 v36, v9;
	v40 =	vmul.f32 v18, v18;
	v18 =	vmul.f32 v26, v26  }
0x119: {  	v25 =	vld.idx.msk [tilespmem:v56+s2+$0x0], $0xffff;
	v13 =	vsub.f32 v13, v8;
	v20 =	vmul.f32 v20, v20;
	v22 =	vadd.f32 v29, v15  }
0x11a: {  	[tilespmem:s0+$0xFFFFFFD0] =	vst v12;
	v26 =	vsub.f32 v27, v8;
	v27 =	vadd.f32 v17, v23;
	v29 =	vadd.s32 s22, v4;
	v41 =	vld.idx.msk [tilespmem:v21+s2+$0x0], $0xffff  }
0x11b: {  	s30 =	simm.s32 $0xE0B0;
	[tilespmem:s29+$0xFFFFFFE0] =	vst v16;
	v18 =	vadd.f32 v18, v19;
	v17 =	vshrl.u32 v12, $0x15;
	v39 =	vshrl.u32 v22, $0x15;
	v30 =	vld.idx.msk [tilespmem:v30+s2+$0x0], $0xffff  }
0x11c: {  	v23 =	vld.idx.msk [tilespmem:v60+s2+$0x0], $0xffff;
	v15 =	vadd.s32 s24, v4;
	[tilespmem:s30+$0x0] =	vst v22;
	v22 =	vshrl.u32 v16, $0x15;
	v16 =	vsub.f32 v31, v10  }
0x11d: {  	v19 =	vmul.f32 v13, v13;
	v13 =	vadd.f32 v55, v24;
	v24 =	vld.idx.msk [tilespmem:v61+s2+$0x0], $0xffff;
	v31 =	vmul.f32 v14, v14  }
0x11e: {  	v12 =	vmul.f32 v26, v26;
	v21 =	vadd.f32 v20, v40;
	v20 =	vld.idx.msk [tilespmem:v58+s2+$0x0], $0xffff;
	v14 =	vmul.f32 v16, v16  }
0x11f: {  	v16 =	vadd.f32 v31, v27;
	v31 =	vmul.f32 v63, v63;
	v27 =	vld.idx.msk [tilespmem:v29+s2+$0x0], $0xffff;
	v29 =	vsub.f32 v41, v8  }
0x120: {  	s31 =	simm.s32 $0x6300;
	s0 =	simm.s32 $0x20C;
	[tilespmem:v39+s15+$0x0] =	vst.idx.add.s32.msk $0xffff, v5;
	v26 =	vsub.f32 v30, v10;
	v30 =	vmul.f32 v62, v62  }
.LBB2_9:
0x121: {  	v32 =	vor.u32 s31, v1;
	v33 =	vor.u32 s31, v3;
	v39 =	vor.u32 s31, v4;
	s1 =	sadd.s32 $0x30, s31;
	s3 =	sadd.s32 $0x60, s31;
	s5 =	sadd.s32 $0x90, s31;
	v35 =	vld.idx.msk [tilespmem:v15+s2+$0x0], $0xffff;
	[tilespmem:s30+$0xFFFFFFE0] =	vst v16;
	v36 =	vmovc v18;
	v37 =	vmovc v21  }
0x122: {  	s0 =	sadd.s32 $0x4, s0;
	v18 =	vadd.s32 s5, v1;
	v21 =	vld.idx.msk [tilespmem:v11+s2+$0x0], $0xffff;
	v15 =	vadd.f32 v31, v30;
	v29 =	vmul.f32 v29, v29;
	[tilespmem:s29+$0xFFFFFFD0] =	vst v13;
	s29 =	smov.u32 s30  }
0x123: {  	v34 =	vmovc v19;
	v30 =	vadd.s32 s1, v1;
	v31 =	vadd.s32 s1, v3;
	v38 =	vadd.s32 s5, v3;
	p0 =	slt.u32 s0, $0x2FC;
	v11 =	vmovc v39;
	[tilespmem:v22+s15+$0x0] =	vst.idx.add.s32.msk $0xffff, v5  }
0x124: {  	v39 =	vadd.s32 s3, v1;
	v40 =	vadd.s32 s3, v3;
	v19 =	vadd.f32 v29, v15;
	[tilespmem:v28+s15+$0x0] =	vst.idx.add.s32.msk $0xffff, v5  }
0x125: {  	v22 =	vadd.s32 s5, v4;
	v29 =	vadd.s32 s1, v4;
	v15 =	vadd.s32 s3, v4;
	[tilespmem:v17+s15+$0x0] =	vst.idx.add.s32.msk $0xffff, v5  }
0x126: {  	v17 =	vsub.f32 v20, v9;
	v20 =	vsub.f32 v23, v10;
	v28 =	vld.idx.msk [tilespmem:v32+s2+$0x0], $0xffff;
	v23 =	vshrl.u32 v19, $0x15  }
0x127: {  	v24 =	vsub.f32 v24, v9;
	v32 =	vld.idx.msk [tilespmem:v18+s2+$0x0], $0xffff;
	v18 =	vsub.f32 v25, v9;
	v25 =	vmul.f32 v26, v26  }
0x128: {  	v27 =	vsub.f32 v27, v8;
	v17 =	vmul.f32 v17, v17;
	v20 =	vmul.f32 v20, v20;
	v26 =	vld.idx.msk [tilespmem:v38+s2+$0x0], $0xffff  }
0x129: {  	s30 =	sadd.s32 $0x40, s30;
	v24 =	vmul.f32 v24, v24;
	v35 =	vsub.f32 v35, v8;
	v30 =	vld.idx.msk [tilespmem:v30+s2+$0x0], $0xffff;
	v18 =	vmul.f32 v18, v18  }
0x12a: {  	v41 =	vsub.f32 v21, v8;
	v42 =	vadd.f32 v17, v25;
	v38 =	vld.idx.msk [tilespmem:v22+s2+$0x0], $0xffff;
	[tilespmem:s30+$0x0] =	vst v19;
	v22 =	vshrl.u32 v16, $0x15  }
0x12b: {  	v21 =	vadd.f32 v24, v20;
	v17 =	vshrl.u32 v13, $0x15;
	v18 =	vadd.f32 v18, v14;
	[tilespmem:v23+s15+$0x0] =	vst.idx.add.s32.msk $0xffff, v5  }
.Ltmp5:
0x12c: {  	v16 =	vmul.f32 v27, v27;
	v19 =	vmul.f32 v35, v35;
	v14 =	vsub.f32 v28, v10;
	v20 =	vld.idx.msk [tilespmem:v31+s2+$0x0], $0xffff;
	(pc) =	sbr.rel @p0 .LBB2_9-.Ltmp5, $4  }
0x12d: {  	v13 =	vadd.f32 v12, v36;
	v12 =	vmul.f32 v41, v41;
	v27 =	vadd.f32 v34, v37;
	v23 =	vld.idx.msk [tilespmem:v39+s2+$0x0], $0xffff  }
0x12e: {  	v31 =	vsub.f32 v32, v10;
	v14 =	vmul.f32 v14, v14;
	v32 =	vsub.f32 v26, v9;
	v24 =	vld.idx.msk [tilespmem:v40+s2+$0x0], $0xffff  }
0x12f: {  	v16 =	vadd.f32 v16, v42;
	v28 =	vshrl.u32 v27, $0x15;
	v26 =	vsub.f32 v30, v10;
	v25 =	vld.idx.msk [tilespmem:v33+s2+$0x0], $0xffff;
	[tilespmem:s29+$0xFFFFFFF0] =	vst v27  }
0x130: {  	s31 =	sadd.s32 $0xC0, s31;
	v30 =	vmul.f32 v31, v31;
	v31 =	vmul.f32 v32, v32;
	v27 =	vld.idx.msk [tilespmem:v29+s2+$0x0], $0xffff;
	v29 =	vsub.f32 v38, v8  }
0x131: {  	_ =	sdelay $0x3  }
0x132: {  	[tilespmem:v22+s15+$0x0] =	vst.idx.add.s32.msk $0xffff, v5  }
0x133: {  	[tilespmem:v28+s15+$0x0] =	vst.idx.add.s32.msk $0xffff, v5  }
0x134: {  	v20 =	vsub.f32 v20, v9;
	[tilespmem:s30+$0xFFFFFFE0] =	vst v16  }
0x135: {  	v26 =	vmul.f32 v26, v26;
	[tilespmem:v17+s15+$0x0] =	vst.idx.add.s32.msk $0xffff, v5;
	v19 =	vadd.f32 v19, v21  }
0x136: {  	v15 =	vld.idx.msk [tilespmem:v15+s2+$0x0], $0xffff;
	[tilespmem:s29+$0xFFFFFFD0] =	vst v13;
	v16 =	vshrl.u32 v16, $0x15;
	v13 =	vshrl.u32 v13, $0x15;
	v12 =	vadd.f32 v12, v18  }
0x137: {  	v11 =	vld.idx.msk [tilespmem:v11+s2+$0x0], $0xffff;
	v30 =	vadd.f32 v31, v30;
	v29 =	vmul.f32 v29, v29;
	v22 =	vsub.f32 v23, v10  }
0x138: {  	v24 =	vsub.f32 v24, v9;
	v20 =	vmul.f32 v20, v20;
	[tilespmem:s30+$0xFFFFFFD0] =	vst v12;
	v12 =	vshrl.u32 v12, $0x15  }
0x139: {  	v29 =	vadd.f32 v29, v30;
	v25 =	vsub.f32 v25, v9;
	v22 =	vmul.f32 v22, v22  }
0x13a: {  	v27 =	vsub.f32 v27, v8;
	v24 =	vmul.f32 v24, v24;
	v20 =	vadd.f32 v20, v26  }
0x13b: {  	[tilespmem:s30+$0xFFFFFFF0] =	vst v19;
	v23 =	vshrl.u32 v29, $0x15;
	v17 =	vmul.f32 v25, v25;
	v15 =	vsub.f32 v15, v8  }
0x13c: {  	v11 =	vsub.f32 v11, v8;
	[tilespmem:v16+s15+$0x0] =	vst.idx.add.s32.msk $0xffff, v5;
	v25 =	vmul.f32 v27, v27  }
0x13d: {  	s0 =	sadd.s32 $0x40, s30;
	[tilespmem:v13+s15+$0x0] =	vst.idx.add.s32.msk $0xffff, v5;
	v21 =	vadd.f32 v24, v22;
	v22 =	vshrl.u32 v19, $0x15;
	v15 =	vmul.f32 v15, v15  }
0x13e: {  	[tilespmem:s0+$0x0] =	vst v29;
	v14 =	vadd.f32 v17, v14;
	v11 =	vmul.f32 v11, v11;
	v20 =	vadd.f32 v25, v20  }
0x13f: {  	[tilespmem:v12+s15+$0x0] =	vst.idx.add.s32.msk $0xffff, v5;
	v15 =	vadd.f32 v15, v21  }
0x140: {  	v11 =	vadd.f32 v11, v14;
	[tilespmem:v23+s15+$0x0] =	vst.idx.add.s32.msk $0xffff, v5;
	v16 =	vshrl.u32 v20, $0x15  }
0x141: {  	[tilespmem:s0+$0xFFFFFFE0] =	vst v20;
	v14 =	vshrl.u32 v15, $0x15  }
0x142: {  	[tilespmem:v22+s15+$0x0] =	vst.idx.add.s32.msk $0xffff, v5;
	v13 =	vshrl.u32 v11, $0x15  }
0x143: {  	[tilespmem:s0+$0xFFFFFFF0] =	vst v15  }
0x144: {  	[tilespmem:s0+$0xFFFFFFD0] =	vst v11  }
0x145: {  	s3 =	simm.s32 $0x9090;
	[tilespmem:v16+s15+$0x0] =	vst.idx.add.s32.msk $0xffff, v5  }
0x146: {  	v11 =	vadd.s32 s3, v1;
	[tilespmem:v14+s15+$0x0] =	vst.idx.add.s32.msk $0xffff, v5  }
0x147: {  	s5 =	simm.s32 $0x9030;
	v12 =	vadd.s32 s3, v3;
	[tilespmem:v13+s15+$0x0] =	vst.idx.add.s32.msk $0xffff, v5  }
0x148: {  	s1 =	simm.s32 $0x9060;
	v15 =	vadd.s32 s5, v3;
	_ =	swait.ge [sflag:s18], $0x3000  }
0x149: {  	v16 =	vadd.s32 s1, v1;
	[sflag:s18] =	ssyncset.done $0x0  }
0x14a: {  	s29 =	simm.s32 $0x0;
	v13 =	vadd.s32 s3, v4;
	[sflag:s18] =	ssyncadd.s32 $0xFFFFD000  }
0x14b: {  	s8 =	simm.s32 $0x9150;
	v17 =	vadd.s32 s1, v3;
	v11 =	vld.idx.msk [tilespmem:v11+s29+$0x0], $0xffff  }
0x14c: {  	v23 =	vadd.s32 s8, v3;
	v12 =	vld.idx.msk [tilespmem:v12+s29+$0x0], $0xffff  }
0x14d: {  	v14 =	vadd.s32 s5, v1;
	s3 =	simm.s32 $0x9000;
	v15 =	vld.idx.msk [tilespmem:v15+s29+$0x0], $0xffff  }
0x14e: {  	v18 =	vor.u32 s3, v1;
	v16 =	vld.idx.msk [tilespmem:v16+s29+$0x0], $0xffff  }
0x14f: {  	v19 =	vor.u32 s3, v3;
	v13 =	vld.idx.msk [tilespmem:v13+s29+$0x0], $0xffff  }
0x150: {  	s11 =	simm.s32 $0x90C0;
	v20 =	vadd.s32 s5, v4;
	v17 =	vld.idx.msk [tilespmem:v17+s29+$0x0], $0xffff  }
0x151: {  	s12 =	simm.s32 $0x90F0;
	v28 =	vor.u32 s11, v1;
	v22 =	vor.u32 s3, v4;
	v23 =	vld.idx.msk [tilespmem:v23+s29+$0x0], $0xffff  }
0x152: {  	s24 =	simm.s32 $0x91B0;
	v31 =	vadd.s32 s12, v4;
	v14 =	vld.idx.msk [tilespmem:v14+s29+$0x0], $0xffff;
	v11 =	vsub.f32 v11, v10;
	v12 =	vsub.f32 v12, v9  }
0x153: {  	v34 =	vadd.s32 s24, v4;
	v24 =	vor.u32 s11, v3;
	v27 =	vadd.s32 s8, v4;
	v18 =	vld.idx.msk [tilespmem:v18+s29+$0x0], $0xffff  }
0x154: {  	v19 =	vld.idx.msk [tilespmem:v19+s29+$0x0], $0xffff;
	v13 =	vsub.f32 v13, v8;
	v11 =	vmul.f32 v11, v11;
	v12 =	vmul.f32 v12, v12  }
0x155: {  	v21 =	vadd.s32 s1, v4;
	v20 =	vld.idx.msk [tilespmem:v20+s29+$0x0], $0xffff;
	v15 =	vsub.f32 v15, v9;
	v16 =	vsub.f32 v16, v10  }
0x156: {  	v22 =	vld.idx.msk [tilespmem:v22+s29+$0x0], $0xffff;
	v11 =	vadd.f32 v12, v11;
	v12 =	vmul.f32 v13, v13;
	v13 =	vadd.s32 s8, v1  }
0x157: {  	v25 =	vadd.s32 s12, v1;
	s5 =	simm.s32 $0x9120;
	v17 =	vsub.f32 v17, v9;
	v23 =	vsub.f32 v23, v9  }
0x158: {  	v26 =	vadd.s32 s5, v1;
	v14 =	vsub.f32 v14, v10;
	v18 =	vsub.f32 v18, v10  }
0x159: {  	v29 =	vadd.s32 s5, v3;
	v19 =	vsub.f32 v19, v9;
	v11 =	vadd.f32 v12, v11  }
0x15a: {  	s13 =	simm.s32 $0xF030;
	v15 =	vmul.f32 v15, v15;
	v14 =	vmul.f32 v14, v14;
	v12 =	vld.idx.msk [tilespmem:v21+s29+$0x0], $0xffff;
	v21 =	vadd.s32 s12, v3  }
0x15b: {  	v22 =	vsub.f32 v22, v8;
	v30 =	vshrl.u32 v11, $0x15;
	[tilespmem:s13+$0x0] =	vst v11;
	v11 =	vsub.f32 v20, v8;
	v13 =	vld.idx.msk [tilespmem:v13+s29+$0x0], $0xffff  }
0x15c: {  	v27 =	vld.idx.msk [tilespmem:v27+s29+$0x0], $0xffff;
	v18 =	vmul.f32 v18, v18;
	v14 =	vadd.f32 v15, v14;
	v15 =	vmul.f32 v19, v19  }
0x15d: {  	v16 =	vmul.f32 v16, v16;
	v19 =	vld.idx.msk [tilespmem:v25+s29+$0x0], $0xffff;
	v20 =	vor.u32 s11, v4;
	v11 =	vmul.f32 v11, v11  }
0x15e: {  	v17 =	vmul.f32 v17, v17;
	v15 =	vadd.f32 v15, v18;
	v18 =	vmul.f32 v22, v22;
	v22 =	vld.idx.msk [tilespmem:v29+s29+$0x0], $0xffff  }
0x15f: {  	v32 =	vadd.s32 s5, v4;
	v12 =	vsub.f32 v12, v8;
	v21 =	vld.idx.msk [tilespmem:v21+s29+$0x0], $0xffff;
	v11 =	vadd.f32 v11, v14  }
0x160: {  	v23 =	vmul.f32 v23, v23;
	v16 =	vadd.f32 v17, v16;
	v14 =	vld.idx.msk [tilespmem:v26+s29+$0x0], $0xffff;
	v13 =	vsub.f32 v13, v10  }
0x161: {  	s21 =	simm.s32 $0x9210;
	v17 =	vsub.f32 v27, v8;
	s8 =	simm.s32 $0x91E0;
	[tilespmem:v30+s15+$0x0] =	vst.idx.add.s32.msk $0xffff, v5;
	v12 =	vmul.f32 v12, v12;
	v25 =	vshrl.u32 v11, $0x15  }
0x162: {  	v27 =	vadd.s32 s21, v3;
	v33 =	vadd.s32 s8, v3;
	[tilespmem:s13+$0xFFFFFFE0] =	vst v11;
	v11 =	vld.idx.msk [tilespmem:v20+s29+$0x0], $0xffff;
	v13 =	vmul.f32 v13, v13  }
0x163: {  	v19 =	vsub.f32 v19, v10;
	v16 =	vadd.f32 v12, v16;
	v12 =	vld.idx.msk [tilespmem:v28+s29+$0x0], $0xffff;
	v28 =	vadd.s32 s24, v1  }
0x164: {  	v13 =	vadd.f32 v23, v13;
	v23 =	vld.idx.msk [tilespmem:v24+s29+$0x0], $0xffff;
	v24 =	vadd.f32 v18, v15;
	v15 =	vadd.s32 s21, v1  }
0x165: {  	s22 =	simm.s32 $0x9180;
	v17 =	vmul.f32 v17, v17;
	v29 =	vadd.s32 s24, v3;
	v21 =	vsub.f32 v21, v9;
	v18 =	vld.idx.msk [tilespmem:v31+s29+$0x0], $0xffff  }
0x166: {  	v26 =	vor.u32 s22, v3;
	v19 =	vmul.f32 v19, v19;
	v30 =	vadd.s32 s21, v4;
	[tilespmem:v25+s15+$0x0] =	vst.idx.add.s32.msk $0xffff, v5  }
0x167: {  	v20 =	vadd.s32 s8, v1;
	v21 =	vmul.f32 v21, v21;
	v13 =	vadd.f32 v17, v13;
	v17 =	vld.idx.msk [tilespmem:v32+s29+$0x0], $0xffff  }
0x168: {  	v31 =	vor.u32 s22, v1;
	v25 =	vsub.f32 v14, v10;
	v11 =	vsub.f32 v11, v8;
	v63 =	vld.idx.msk [tilespmem:v28+s29+$0x0], $0xffff  }
0x169: {  	v12 =	vsub.f32 v12, v10;
	v28 =	vadd.f32 v21, v19;
	v62 =	vshrl.u32 v13, $0x15;
	v35 =	vld.idx.msk [tilespmem:v15+s29+$0x0], $0xffff  }
0x16a: {  	[tilespmem:s13+$0xFFFFFFF0] =	vst v16;
	v14 =	vadd.s32 s8, v4;
	v15 =	vsub.f32 v22, v9;
	v22 =	vld.idx.msk [tilespmem:v27+s29+$0x0], $0xffff;
	v23 =	vsub.f32 v23, v9  }
0x16b: {  	s30 =	simm.s32 $0xF070;
	v25 =	vmul.f32 v25, v25;
	v27 =	vld.idx.msk [tilespmem:v30+s29+$0x0], $0xffff;
	v30 =	vmul.f32 v12, v12;
	v18 =	vsub.f32 v18, v8  }
0x16c: {  	v21 =	vshrl.u32 v24, $0x15;
	v19 =	vld.idx.msk [tilespmem:v33+s29+$0x0], $0xffff;
	[tilespmem:s30+$0x0] =	vst v13;
	v13 =	vmul.f32 v15, v15;
	v23 =	vmul.f32 v23, v23  }
0x16d: {  	[tilespmem:s13+$0xFFFFFFD0] =	vst v24;
	v15 =	vshrl.u32 v16, $0x15;
	v17 =	vsub.f32 v17, v8;
	v16 =	vld.idx.msk [tilespmem:v29+s29+$0x0], $0xffff;
	v29 =	vmul.f32 v18, v18  }
0x16e: {  	v12 =	vor.u32 s22, v4;
	[tilespmem:v62+s15+$0x0] =	vst.idx.add.s32.msk $0xffff, v5;
	v13 =	vadd.f32 v13, v25;
	v25 =	vadd.f32 v23, v30  }
0x16f: {  	v18 =	vld.idx.msk [tilespmem:v20+s29+$0x0], $0xffff;
	v17 =	vmul.f32 v17, v17;
	v20 =	vsub.f32 v35, v10;
	v24 =	vsub.f32 v22, v9  }
0x170: {  	v11 =	vmul.f32 v11, v11;
	v29 =	vadd.f32 v29, v28;
	v23 =	vld.idx.msk [tilespmem:v26+s29+$0x0], $0xffff;
	v26 =	vsub.f32 v27, v8  }
0x171: {  	v22 =	vld.idx.msk [tilespmem:v31+s29+$0x0], $0xffff;
	v13 =	vadd.f32 v17, v13;
	v27 =	vmul.f32 v20, v20;
	v28 =	vmul.f32 v24, v24  }
0x172: {  	s31 =	simm.s32 $0x9240;
	s0 =	simm.s32 $0x308;
	v17 =	vadd.f32 v11, v25;
	[tilespmem:s30+$0xFFFFFFE0] =	vst v29;
	v25 =	vshrl.u32 v29, $0x15;
	v20 =	vld.idx.msk [tilespmem:v34+s29+$0x0], $0xffff;
	v24 =	vsub.f32 v63, v10  }
.LBB2_11:
0x173: {  	v29 =	vor.u32 s31, v3;
	s1 =	sadd.s32 $0x30, s31;
	s3 =	sadd.s32 $0x60, s31;
	s5 =	sadd.s32 $0x90, s31;
	v11 =	vld.idx.msk [tilespmem:v14+s29+$0x0], $0xffff;
	v14 =	vadd.f32 v28, v27;
	v26 =	vmul.f32 v26, v26;
	[tilespmem:s30+$0xFFFFFFF0] =	vst v13  }
0x174: {  	s0 =	sadd.s32 $0x4, s0;
	v27 =	vadd.s32 s1, v1;
	v28 =	vadd.s32 s1, v3;
	v30 =	vadd.s32 s5, v1;
	v31 =	vld.idx.msk [tilespmem:v12+s29+$0x0], $0xffff;
	[tilespmem:s30+$0xFFFFFFD0] =	vst v17  }
0x175: {  	v32 =	vadd.s32 s3, v1;
	v33 =	vadd.s32 s5, v3;
	p0 =	slt.u32 s0, $0x3FC;
	v26 =	vadd.f32 v26, v14;
	[tilespmem:v21+s15+$0x0] =	vst.idx.add.s32.msk $0xffff, v5  }
0x176: {  	v34 =	vor.u32 s31, v1;
	v35 =	vadd.s32 s3, v3;
	v21 =	vadd.s32 s5, v4;
	[tilespmem:v15+s15+$0x0] =	vst.idx.add.s32.msk $0xffff, v5  }
0x177: {  	v36 =	vadd.s32 s1, v4;
	v14 =	vadd.s32 s3, v4;
	v37 =	vshrl.u32 v26, $0x15;
	[tilespmem:v25+s15+$0x0] =	vst.idx.add.s32.msk $0xffff, v5  }
0x178: {  	v12 =	vor.u32 s31, v4;
	v15 =	vsub.f32 v16, v9;
	v16 =	vsub.f32 v18, v10  }
0x179: {  	v19 =	vsub.f32 v19, v9;
	v18 =	vsub.f32 v22, v10;
	v22 =	vmul.f32 v24, v24;
	v25 =	vld.idx.msk [tilespmem:v30+s29+$0x0], $0xffff  }
0x17a: {  	s30 =	sadd.s32 $0x40, s30;
	v23 =	vsub.f32 v23, v9;
	v30 =	vmul.f32 v15, v15;
	v24 =	vld.idx.msk [tilespmem:v33+s29+$0x0], $0xffff;
	v33 =	vmul.f32 v16, v16  }
0x17b: {  	v39 =	vmul.f32 v18, v18;
	v18 =	vmul.f32 v19, v19;
	v15 =	vshrl.u32 v13, $0x15;
	v38 =	vld.idx.msk [tilespmem:v21+s29+$0x0], $0xffff;
	[tilespmem:s30+$0x0] =	vst v26  }
0x17c: {  	v19 =	vsub.f32 v20, v8;
	v13 =	vmul.f32 v23, v23;
	v21 =	vshrl.u32 v17, $0x15;
	[tilespmem:v37+s15+$0x0] =	vst.idx.add.s32.msk $0xffff, v5  }
0x17d: {  	v11 =	vsub.f32 v11, v8;
	v20 =	vsub.f32 v31, v8;
	v17 =	vld.idx.msk [tilespmem:v27+s29+$0x0], $0xffff  }
0x17e: {  	v23 =	vadd.f32 v30, v22;
	v26 =	vmul.f32 v19, v19;
	v27 =	vadd.f32 v18, v33;
	v16 =	vld.idx.msk [tilespmem:v28+s29+$0x0], $0xffff  }
.Ltmp6:
0x17f: {  	v30 =	vadd.f32 v13, v39;
	v31 =	vmul.f32 v20, v20;
	v13 =	vmul.f32 v11, v11;
	v18 =	vld.idx.msk [tilespmem:v32+s29+$0x0], $0xffff;
	(pc) =	sbr.rel @p0 .LBB2_11-.Ltmp6, $4  }
0x180: {  	v20 =	vsub.f32 v25, v10;
	v24 =	vsub.f32 v24, v9;
	v19 =	vld.idx.msk [tilespmem:v35+s29+$0x0], $0xffff  }
0x181: {  	v11 =	vimm.s32 $0x0;
	v25 =	vadd.f32 v26, v23;
	v13 =	vadd.f32 v13, v27;
	v22 =	vld.idx.msk [tilespmem:v34+s29+$0x0], $0xffff  }
0x182: {  	v26 =	vsub.f32 v38, v8;
	v27 =	vmul.f32 v20, v20;
	v28 =	vmul.f32 v24, v24;
	v23 =	vld.idx.msk [tilespmem:v29+s29+$0x0], $0xffff  }
0x183: {  	s31 =	sadd.s32 $0xC0, s31;
	v24 =	vsub.f32 v17, v10;
	v17 =	vadd.f32 v31, v30;
	v20 =	vld.idx.msk [tilespmem:v36+s29+$0x0], $0xffff;
	[tilespmem:s30+$0xFFFFFFE0] =	vst v25;
	v25 =	vshrl.u32 v25, $0x15  }
0x184: {  	_ =	sdelay $0x3  }
0x185: {  	v14 =	vld.idx.msk [tilespmem:v14+s29+$0x0], $0xffff;
	v27 =	vadd.f32 v28, v27  }
0x186: {  	v26 =	vmul.f32 v26, v26;
	v12 =	vld.idx.msk [tilespmem:v12+s29+$0x0], $0xffff;
	v16 =	vsub.f32 v16, v9;
	v18 =	vsub.f32 v18, v10  }
0x187: {  	[tilespmem:v21+s15+$0x0] =	vst.idx.add.s32.msk $0xffff, v5;
	v62 =	vshrl.u32 v13, $0x15;
	v58 =	vmul.f32 v24, v24;
	v19 =	vsub.f32 v19, v9  }
0x188: {  	[tilespmem:v15+s15+$0x0] =	vst.idx.add.s32.msk $0xffff, v5;
	v61 =	vshrl.u32 v17, $0x15;
	v26 =	vadd.f32 v26, v27;
	v10 =	vsub.f32 v22, v10  }
0x189: {  	v16 =	vmul.f32 v16, v16;
	v18 =	vmul.f32 v18, v18;
	v9 =	vsub.f32 v23, v9  }
0x18a: {  	[tilespmem:v25+s15+$0x0] =	vst.idx.add.s32.msk $0xffff, v5;
	v19 =	vmul.f32 v19, v19;
	v57 =	vshrl.u32 v26, $0x15;
	v20 =	vsub.f32 v20, v8  }
0x18b: {  	v10 =	vmul.f32 v10, v10;
	v9 =	vmul.f32 v9, v9;
	v12 =	vsub.f32 v12, v8  }
0x18c: {  	[tilespmem:s30+$0xFFFFFFF0] =	vst v13;
	v59 =	vadd.f32 v16, v58;
	v8 =	vsub.f32 v14, v8;
	v60 =	vmul.f32 v20, v20  }
0x18d: {  	s0 =	sadd.s32 $0x40, s30;
	[tilespmem:s30+$0xFFFFFFD0] =	vst v17;
	v9 =	vadd.f32 v9, v10;
	v10 =	vmul.f32 v12, v12  }
0x18e: {  	[tilespmem:s0+$0x0] =	vst v26;
	v18 =	vadd.f32 v19, v18;
	v8 =	vmul.f32 v8, v8;
	v14 =	vadd.f32 v60, v59  }
0x18f: {  	[tilespmem:v62+s15+$0x0] =	vst.idx.add.s32.msk $0xffff, v5;
	v9 =	vadd.f32 v10, v9  }
0x190: {  	[tilespmem:v61+s15+$0x0] =	vst.idx.add.s32.msk $0xffff, v5;
	v8 =	vadd.f32 v8, v18;
	v10 =	vshrl.u32 v14, $0x15  }
0x191: {  	[tilespmem:v57+s15+$0x0] =	vst.idx.add.s32.msk $0xffff, v5;
	v63 =	vshrl.u32 v9, $0x15  }
0x192: {  	p1 =	por $0x1, $0x1;
	[tilespmem:s0+$0xFFFFFFF0] =	vst v8;
	v8 =	vshrl.u32 v8, $0x15  }
.Ltmp7:
0x193: {  	[tilespmem:s0+$0xFFFFFFE0] =	vst v14;
	(pc) =	sbr.rel @!p1 .LBB2_17-.Ltmp7, $4  }
0x194: {  	[tilespmem:s0+$0xFFFFFFD0] =	vst v9  }
0x195: {  	[tilespmem:v10+s15+$0x0] =	vst.idx.add.s32.msk $0xffff, v5  }
0x196: {  	[tilespmem:v63+s15+$0x0] =	vst.idx.add.s32.msk $0xffff, v5  }
0x197: {  	p0 =	por $0x0, $0x0;
	s1 =	smov.u32 s29;
	s0 =	simm.s32 $0x40;
	[tilespmem:v8+s15+$0x0] =	vst.idx.add.s32.msk $0xffff, v5;
	v8 =	vimm.s32 $0x0  }
0x198: {  	s1 =	simm.s32 $0x0  }
0x199: {  	v8 =	vld [tilespmem:s1+$0x10000];
	_ =	sdelay $0x4  }
0x19a: {  	(xrf0) =	vadd.scan.msk.s32 $0xffff, v8;
	_ =	sdelay $0x2  }
0x19b: {  	p1 =	por $0x1, $0x1  }
.Ltmp8:
0x19c: {  	_ = 	snop;
	(pc) =	sbr.rel @!p1 .LBB2_14-.Ltmp8, $4  }
0x19d: {  	_ = 	snop  }
0x19e: {  	v8, _, _ =	vpop (xrf0)  }
0x19f: {  	v8 =	vadd.s32 s29, v8  }
0x1a0: {  	p0 =	por $0x1, $0x1;
	s1 =	simm.s32 $0x80;
	vm0 =	vlt.s32 v8, $0x80;
	(v2sf) =	vpush v8, $0xF;
	v8 =	vimm.s32 $0x0  }
.LBB2_15:
0x1a1: {  	p1 =	sne.s32 s1, $0xFC0;
	v9 =	vmpcnt.ones.xlane vm0;
	_ =	sdelay $0x1  }
0x1a2: {  	s3 =	sshra.s32 s0, $0x2;
	s0 =	smov.u32 s1;
	v8 =	vadd.s32 v8, v9  }
0x1a3: {  	v9 =	vld [tilespmem:s3+$0x10000];
	_ =	sdelay $0x4  }
0x1a4: {  	(xrf0) =	vadd.scan.msk.s32 $0xffff, v9;
	_ =	sdelay $0x3  }
.Ltmp9:
0x1a5: {  	(pc) =	sbr.rel @p1 .LBB2_15-.Ltmp9, $4  }
0x1a6: {  	_ = 	snop  }
0x1a7: {  	v9, _, _ =	vpop (xrf0);
	s3 =	spop (v2sf)  }
0x1a8: {  	v9 =	vadd.s32 s3, v9  }
0x1a9: {  	s1 =	sadd.s32 $0x40, s1;
	vm0 =	vlt.s32 v9, $0x80;
	(v2sf) =	vpush v9, $0xF  }
0x1aa: {  	s1 =	smov.u32 s0  }
.LBB2_17:
0x1ab: {  	_ =	sdelay $0x1  }
0x1ac: {  	s0 =	sshra.s32 s1, $0x2  }
0x1ad: {  	v9 =	vld [tilespmem:s0+$0x10000];
	_ =	sdelay $0x4  }
0x1ae: {  	(xrf0) =	vadd.scan.msk.s32 $0xffff, v9;
	_ =	sdelay $0x4  }
0x1af: {  	s0 =	spop @p0 (v2sf)  }
0x1b0: {  	v9, _, _ =	vpop (xrf0);
	s29 =	smov.u32 @p0 s0  }
0x1b1: {  	v9 =	vadd.s32 s29, v9  }
0x1b2: {  	(v2sf) =	vpush v9, $0xF;
	_ =	sdelay $0x2  }
0x1b3: {  	s31 =	simm.s32 $0x0  }
0x1b4: {  	v10 =	vmpcnt.ones.xlane @p0 vm0;
	v13 =	vld [tilespmem:s31+$0xC020]  }
0x1b5: {  	v17 =	vld [tilespmem:s31+$0xC010]  }
0x1b6: {  	v8 =	vadd.s32 @p0 v8, v10;
	v10 =	vld [tilespmem:s31+$0xC000];
	vm0 =	vlt.s32 v9, $0x80  }
0x1b7: {  	s21 =	simm.s32 $0x2;
	v9 =	vmpcnt.ones.xlane vm0  }
0x1b8: {  	v18 =	vld [tilespmem:s31+$0xC030];
	v8 =	vpsel p0, v8, v11;
	v11 =	vmov s21  }
0x1b9: {  	v11 =	vand.u32 $0xFFFFFFFE, v11;
	v8 =	vadd.s32 v8, v9  }
0x1ba: {  	s13 =	simm.s32 $0x1;
	v12 =	vshrl.u32 v13, $0x15;
	v14 =	vshrl.u32 v17, $0x15;
	s0 =	simm.s32 $0x0;
	v8 =	vbroadcast v8, $0x0  }
0x1bb: {  	v15 =	vshrl.u32 v10, $0x15;
	v16 =	vmov s0;
	v9 =	vmov s13  }
0x1bc: {  	v9 =	vand.u32 $0xFFFFFFFD, v9;
	vm2 =	vle.s32 v12, v8;
	v12 =	vbroadcast v11, $0x0  }
0x1bd: {  	s22 =	simm.s32 $0x20;
	s24 =	simm.s32 $0x3;
	s30 =	simm.s32 $0x18A80;
	v9 =	vbroadcast v9, $0x0;
	vm0 =	vle.s32 v14, v8;
	v14 =	vshrl.u32 v18, $0x15;
	[tilespmem:s31+$0x10420] =	vst.msk vm2, v13  }
0x1be: {  	s5 =	simm.s32 $0x30;
	s1 =	simm.s32 $0x0;
	s11 =	simm.s32 $0x0;
	v13 =	vor.u32 s22, v0;
	vm1 =	vle.s32 v14, v8;
	v14 =	vmov s24;
	[tilespmem:s31+$0x10410] =	vst.msk vm0, v17  }
0x1bf: {  	s8 =	simm.s32 $0x10;
	s29 =	simm.s32 $0x10;
	v11 =	vmpcnt.ones.xlane vm0;
	[tilespmem:s31+$0x144A0] =	vst.msk vm2, v13;
	v13 =	vand.u32 $0xFFFFFFFC, v16;
	v16 =	vmpcnt.ones.xlane vm2;
	s3 =	spop (v2sf)  }
0x1c0: {  	s24 =	simm.s32 $0x100;
	[tilespmem:s31+$0x10430] =	vst.msk vm1, v18;
	v18 =	vor.u32 s5, v0;
	v17 =	vmpcnt.ones.xlane vm1;
	s5 =	simm.s32 $0x18A80;
	v13 =	vbroadcast v13, $0x0;
	s3 =	simm.s32 $0x4  }
.LBB2_18:
0x1c1: {  	s12 =	sshra.s32 s24, $0x2;
	[tilespmem:s31+$0x144B0] =	vst.msk vm1, v18;
	s1 =	sadd.s32 $0x40, s1;
	s13 =	smov.u32 s3  }
0x1c2: {  	p0 =	slt.u32 s3, $0x3FC;
	s3 =	sadd.s32 $0x4, s3;
	s21 =	sadd.s32 $0x10, s1;
	v18 =	vld [tilespmem:s12+$0xC020];
	[tilespmem:v12+s5+$0x0] =	vst.idx.msk $0x1, v16  }
0x1c3: {  	vm1 =	vle.s32 v15, v8;
	v19 =	vld [tilespmem:s12+$0xC010];
	[tilespmem:v14+s5+$0x0] =	vst.idx.msk $0x1, v17  }
0x1c4: {  	s22 =	sadd.s32 $0x1, s13;
	v12 =	vor.u32 s11, v0;
	s11 =	smov.u32 s1;
	v14 =	vmpcnt.ones.xlane vm1;
	v17 =	vld [tilespmem:s12+$0xC030];
	[tilespmem:s31+$0x10400] =	vst.msk vm1, v10  }
0x1c5: {  	v15 =	vmov s22;
	s22 =	sadd.s32 $0x2, s13;
	v10 =	vld [tilespmem:s12+$0xC000];
	[tilespmem:s31+$0x14480] =	vst.msk vm1, v12;
	v12 =	vor.u32 s8, v0;
	s8 =	smov.u32 s21  }
0x1c6: {  	v16 =	vmov s13;
	v15 =	vand.u32 $0xFFFFFFFD, v15;
	v20 =	vmov s22;
	[tilespmem:v13+s5+$0x0] =	vst.idx.msk $0x1, v14  }
0x1c7: {  	v13 =	vbroadcast v15, $0x0;
	v15 =	vand.u32 $0xFFFFFFFE, v20;
	v14 =	vshrl.u32 v18, $0x15;
	[tilespmem:s31+$0x14490] =	vst.msk vm0, v12;
	s31 =	smov.u32 s12  }
.Ltmp10:
0x1c8: {  	s12 =	sadd.s32 $0x20, s1;
	v12 =	vbroadcast v15, $0x0;
	v20 =	vshrl.u32 v19, $0x15;
	vm2 =	vle.s32 v14, v8;
	[tilespmem:v9+s5+$0x0] =	vst.idx.msk $0x1, v11;
	s5 =	smov.u32 s30;
	(pc) =	sbr.rel @p0 .LBB2_18-.Ltmp10, $4  }
0x1c9: {  	v14 =	vor.u32 s12, v0;
	s12 =	sadd.s32 $0x3, s13;
	v9 =	vmovc v13;
	vm0 =	vle.s32 v20, v8;
	[tilespmem:s31+$0x10420] =	vst.msk vm2, v18;
	v15 =	vshrl.u32 v17, $0x15  }
0x1ca: {  	v11 =	vmpcnt.ones.xlane vm0;
	[tilespmem:s31+$0x144A0] =	vst.msk vm2, v14;
	vm1 =	vle.s32 v15, v8;
	v14 =	vmov s12  }
0x1cb: {  	v13 =	vand.u32 $0xFFFFFFFC, v16;
	v16 =	vmpcnt.ones.xlane vm2;
	v15 =	vshrl.u32 v10, $0x15;
	s12 =	sadd.s32 $0x30, s1;
	[tilespmem:s31+$0x10430] =	vst.msk vm1, v17  }
0x1cc: {  	s24 =	sadd.s32 $0x100, s24;
	v13 =	vbroadcast v13, $0x0;
	v18 =	vor.u32 s12, v0;
	v17 =	vmpcnt.ones.xlane vm1;
	[tilespmem:s31+$0x10410] =	vst.msk vm0, v19  }
0x1cd: {  	_ =	sdelay $0x2  }
0x1ce: {  	[tilespmem:s31+$0x144B0] =	vst.msk vm1, v18  }
0x1cf: {  	[tilespmem:v12+s5+$0x0] =	vst.idx.msk $0x1, v16  }
0x1d0: {  	vm1 =	vle.s32 v15, v8;
	[tilespmem:v14+s5+$0x0] =	vst.idx.msk $0x1, v17  }
0x1d1: {  	v8 =	vor.u32 s11, v0;
	[tilespmem:s31+$0x10400] =	vst.msk vm1, v10;
	v10 =	vmpcnt.ones.xlane vm1  }
0x1d2: {  	v62 =	vimm.s32 $0x0;
	[tilespmem:s31+$0x14480] =	vst.msk vm1, v8  }
0x1d3: {  	(v2sf) =	vpush v62, $0x0;
	v8 =	vor.u32 s8, v0;
	[tilespmem:v13+s5+$0x0] =	vst.idx.msk $0x1, v10  }
0x1d4: {  	[tilespmem:s31+$0x14490] =	vst.msk vm0, v8  }
0x1d5: {  	[tilespmem:v9+s5+$0x0] =	vst.idx.msk $0x1, v11  }
0x1d6: {  	v8 =	vld [tilespmem:s30+$0x0];
	_ =	sdelay $0x4  }
0x1d7: {  	(xrf0) =	vadd.scan.msk.s32 $0xffff, v8;
	_ =	sdelay $0x4  }
0x1d8: {  	vm0 =	vgt.s32 v8, $0x0  }
0x1d9: {  	v10 =	vmpcnt.ones.xlane vm0;
	v9, _, _ =	vpop (xrf0)  }
0x1da: {  	v63 =	vor.u32 s0, v0;
	s1 =	spop (v2sf);
	v11 =	vadd.s32 s0, v9  }
0x1db: {  	s0 =	simm.s32 $0x20;
	[tilespmem:s1+$0x18E80] =	vst.msk vm0, v63;
	v9 =	vsub.s32 v11, v8;
	v8 =	vadd.s32 v62, v10;
	(v2sf) =	vpush v11, $0xF  }
.LBB2_20:
0x1dc: {  	p0 =	sne.s32 s0, $0x3F0  }
0x1dd: {  	(v2sf) =	vpush v8, $0x0;
	[tilespmem:s1+$0x19300] =	vst.msk vm0, v9;
	s30 =	sadd.s32 $0x10, s30;
	s3 =	smov.u32 s0;
	s0 =	sadd.s32 $0x10, s0  }
0x1de: {  	_ =	sdelay $0x1  }
0x1df: {  	v9 =	vld [tilespmem:s30+$0x0];
	_ =	sdelay $0x4  }
0x1e0: {  	(xrf0) =	vadd.scan.msk.s32 $0xffff, v9;
	_ =	sdelay $0x3  }
.Ltmp11:
0x1e1: {  	(pc) =	sbr.rel @p0 .LBB2_20-.Ltmp11, $4  }
0x1e2: {  	vm0 =	vgt.s32 v9, $0x0  }
0x1e3: {  	v10 =	vmpcnt.ones.xlane vm0;
	v11, _, _ =	vpop (xrf0);
	s1 =	spop (v2sf)  }
0x1e4: {  	v12 =	vor.u32 s29, v0;
	s29 =	smov.u32 s3;
	v11 =	vadd.s32 s1, v11;
	s1 =	spop (v2sf)  }
0x1e5: {  	v8 =	vadd.s32 v8, v10;
	v9 =	vsub.s32 v11, v9;
	[tilespmem:s1+$0x18E80] =	vst.msk vm0, v12;
	(v2sf) =	vpush v11, $0xF  }
0x1e6: {  	_ =	sdelay $0x1  }
0x1e7: {  	[tilespmem:s1+$0x19300] =	vst.msk vm0, v9;
	s0 =	sadd.s32 $0x10, s30  }
0x1e8: {  	v9 =	vld [tilespmem:s0+$0x0];
	_ =	sdelay $0x4  }
0x1e9: {  	(xrf0) =	vadd.scan.msk.s32 $0xffff, v9;
	_ =	sdelay $0x4  }
0x1ea: {  	vm15 =	vgt.s32 v9, $0x0  }
0x1eb: {  	v10 =	vmpcnt.ones.xlane vm15;
	v11, _, _ =	vpop (xrf0);
	s24 =	spop (v2sf)  }
0x1ec: {  	(v2sf) =	vpush v8, $0x0;
	v11 =	vadd.s32 s24, v11  }
0x1ed: {  	v8 =	vadd.s32 v8, v10;
	(v2sf) =	vpush v11, $0xF  }
0x1ee: {  	(v2sf) =	vpush v8, $0x0;
	_ =	sdelay $0xc  }
0x1ef: {  	s31 =	spop (v2sf)  }
0x1f0: {  	s30 =	spop (v2sf)  }
0x1f1: {  	s3 =	spop (v2sf)  }
0x1f2: {  	p0 =	slt.s32 s3, $0x1  }
.Ltmp12:
0x1f3: {  	_ = 	snop;
	(pc) =	sbr.rel @p0 .LBB2_25-.Ltmp12, $4  }
0x1f4: {  	_ = 	snop  }
0x1f5: {  	v8 =	vor.u32 s29, v0  }
0x1f6: {  	v9 =	vsub.s32 v11, v9;
	[tilespmem:s31+$0x18E80] =	vst.msk vm15, v8  }
0x1f7: {  	[tilespmem:s31+$0x19300] =	vst.msk vm15, v9  }
0x1f8: {  	s0 =	simm.s32 $0x18E80  }
0x1f9: {  	v8 =	vld [tilespmem:s0+$0x0];
	_ =	sdelay $0x4  }
0x1fa: {  	s1 =	simm.s32 $0x19300;
	(v2sf) =	vpush v8, $0x0  }
0x1fb: {  	v9 =	vld [tilespmem:s1+$0x0];
	_ =	sdelay $0x4  }
0x1fc: {  	(v2sf) =	vpush v9, $0x0;
	_ =	sdelay $0x8  }
0x1fd: {  	s5 =	spop (v2sf)  }
0x1fe: {  	p0 =	sne.s32 s3, $0x1;
	s5 =	sshll.u32 s5, $0x4  }
.Ltmp13:
0x1ff: {  	v9 =	vld [tilespmem:s5+$0x10400];
	(pc) =	sbr.rel @!p0 .LBB2_24-.Ltmp13, $2  }
0x200: {  	v8 =	vld [tilespmem:s5+$0x14480];
	_ =	sdelay $0x2  }
0x201: {  	s3 =	sadd.s32 $0xFFFFFFFF, s3;
	s5 =	spop (v2sf)  }
.LBB2_23:
0x202: {  	p0 =	sne.s32 s3, $0x1;
	[tilespmem:s5+$0x10400] =	vst v9;
	s1 =	sadd.s32 $0x1, s1;
	s0 =	sadd.s32 $0x1, s0  }
0x203: {  	s3 =	sadd.s32 $0xFFFFFFFF, s3;
	[tilespmem:s5+$0x14480] =	vst v8  }
0x204: {  	v8 =	vld [tilespmem:s0+$0x0];
	_ =	sdelay $0x4  }
0x205: {  	(v2sf) =	vpush v8, $0x0  }
0x206: {  	v8 =	vld [tilespmem:s1+$0x0];
	_ =	sdelay $0x4  }
0x207: {  	(v2sf) =	vpush v8, $0x0;
	_ =	sdelay $0x8  }
0x208: {  	s5 =	spop (v2sf)  }
0x209: {  	s5 =	sshll.u32 s5, $0x4  }
.Ltmp14:
0x20a: {  	v9 =	vld [tilespmem:s5+$0x10400];
	(pc) =	sbr.rel @p0 .LBB2_23-.Ltmp14, $2  }
0x20b: {  	v8 =	vld [tilespmem:s5+$0x14480];
	_ =	sdelay $0x2  }
0x20c: {  	s5 =	spop (v2sf)  }
.LBB2_24:
0x20d: {  	[tilespmem:s5+$0x10400] =	vst v9  }
0x20e: {  	[tilespmem:s5+$0x14480] =	vst v8  }
.LBB2_25:
0x20f: {  	p0 =	slt.s32 s30, $0x1  }
.Ltmp15:
0x210: {  	_ = 	snop;
	(pc) =	sbr.rel @p0 .LBB2_32-.Ltmp15, $3  }
0x211: {  	_ =	sdelay $0x1  }
0x212: {  	[tilespmem:s30+$0x10400] =	vst v6  }
0x213: {  	[tilespmem:s30+$0x14480] =	vst v7  }
0x214: {  	s0 =	sadd.s32 $0xF, s30  }
0x215: {  	s1 =	sand.u32 $0xF, s0  }
0x216: {  	s3 =	sshra.s32 s0, $0x1F;
	p0 =	slt.s32 s0, $0x1;
	p1 =	sne.s32 s1, $0x0  }
.Ltmp16:
0x217: {  	s31 =	sshrl.u32 s3, $0x1C;
	p0 =	por !p0, !p1;
	(pc) =	sbr.rel .LBB2_27-.Ltmp16, $4  }
0x218: {  	s1 =	simm.s32 $0x1;
	s0 =	sadd.s32 s31, s0;
	p0 =	por !p0, !p0  }
0x219: {  	s0 =	sshra.s32 s0, $0x4;
	s1 =	simm.s32 @!p0 $0x0  }
0x21a: {  	s0 =	ssub.s32 s0, s1  }
0x21b: {  	s1 =	simm.s32 $0x0;
	p0 =	slt.s32 s0, $0x1  }
.LBB2_30:
0x21c: {  	vm0 =	veq.f32 v12, v8;
	vm1 =	vlt.s32 v11, v9  }
0x21d: {  	vm2 =	vlt.f32 v12, v8;
	vm0 =	vmand vm0, vm1  }
0x21e: {  	vm0 =	vmor vm2, vm0  }
0x21f: {  	v11 =	vsel vm0, $0x1, v2  }
0x220: {  	v10 =	vadd.s32 v11, v10  }
.LBB2_31:
0x221: {  	(xrf0) =	vadd.scan.msk.s32 $0xffff, v10;
	_ =	sdelay $0x3  }
0x222: {  	v63 =	vmul.u32 $0xFFFFFFFF, v0;
	_ =	sdelay $0x1  }
0x223: {  	v10 =	vadd.s32 $0xF, v63;
	v11, _, _ =	vpop (xrf0)  }
0x224: {  	v10 =	vperm.xlane v11, v10;
	_ =	sdelay $0x1  }
0x225: {  	vm1 =	vmmov $0x1;
	vm0 =	vlt.s32 v10, $0x80  }
0x226: {  	vm0 =	vmand vm0, vm1  }
0x227: {  	s1 =	sadd.s32 $0x1, s1  }
0x228: {  	p1 =	seq.s32 s1, s30  }
.Ltmp17:
0x229: {  	_ = 	snop;
	(pc) =	sbr.rel @p1 .LBB2_32-.Ltmp17, $3  }
0x22a: {  	_ =	sdelay $0x1  }
0x22b: {  	[tilespmem:v10+s19+$0x0] =	vst.idx.msk vm0, v8  }
0x22c: {  	[tilespmem:v10+s20+$0x0] =	vst.idx.msk vm0, v9  }
.LBB2_27:
0x22d: {  	v9 =	vmov s1;
	_ =	sdelay $0x3  }
0x22e: {  	s5 =	simm.s32 $0x10400  }
0x22f: {  	s3 =	simm.s32 $0x14480;
	v8 =	vld.idx.msk [tilespmem:v9+s5+$0x0], $0xffff  }
.Ltmp18:
0x230: {  	v9 =	vld.idx.msk [tilespmem:v9+s3+$0x0], $0xffff;
	(pc) =	sbr.rel @p0 .LBB2_31-.Ltmp18, $2  }
0x231: {  	_ =	sdelay $0x2  }
0x232: {  	v10 =	vimm.s32 $0x0  }
0x233: {  	v12 =	vld [tilespmem:s5+$0x0];
	p1 =	sne.s32 s0, $0x1  }
.Ltmp19:
0x234: {  	v11 =	vld [tilespmem:s3+$0x0];
	(pc) =	sbr.rel @!p1 .LBB2_30-.Ltmp19, $2  }
0x235: {  	_ =	sdelay $0x2  }
0x236: {  	s5 =	sadd.s32 $0xFFFFFFFF, s0;
	s8 =	simm.s32 $0x10410  }
.LBB2_29:
0x237: {  	v13 =	vld [tilespmem:s8+$0x0];
	vm0 =	veq.f32 v12, v8;
	vm1 =	vlt.s32 v11, v9;
	s3 =	sadd.s32 $0x10, s3;
	p1 =	sne.s32 s5, $0x1  }
.Ltmp20:
0x238: {  	s5 =	sadd.s32 $0xFFFFFFFF, s5;
	vm2 =	vlt.f32 v12, v8;
	v11 =	vld [tilespmem:s3+$0x0];
	vm0 =	vmand vm0, vm1;
	(pc) =	sbr.rel @p1 .LBB2_29-.Ltmp20, $4  }
0x239: {  	vm0 =	vmor vm2, vm0  }
0x23a: {  	v14 =	vsel vm0, $0x1, v2  }
0x23b: {  	v10 =	vadd.s32 v14, v10  }
0x23c: {  	s8 =	sadd.s32 $0x10, s8;
	v12 =	vmov v13  }
.Ltmp21:
0x23d: {  	_ = 	snop;
	(pc) =	sbr.rel .LBB2_30-.Ltmp21, $1  }
0x23e: {  	_ =	sdelay $0x3  }
.LBB2_32:
0x23f: {  	s1 =	simm.s32 $0x0  }
0x240: {  	v9 =	vor.u32 s1, v0  }
0x241: {  	v10 =	vmulhi.u32 $0xAAAAAAAB, v9;
	_ =	sdelay $0x1  }
0x242: {  	v10 =	vshrl.u32 v10, $0x1  }
0x243: {  	v11 =	vmul.u32 $0xFFFFFFFD, v10  }
0x244: {  	v12 =	vmov s1;
	v13 =	vsub.s32 $0x0, v9  }
0x245: {  	vm0 =	veq.s32 v12, v0;
	vm1 =	vne.s32 v11, v13  }
0x246: {  	vm0 =	vmand vm0, vm1  }
0x247: {  	v11 =	vsel vm0, $0xFFFFFFFF, v2  }
0x248: {  	v10 =	vadd.s32 v11, v10;
	_ =	sdelay $0x4  }
0x249: {  	v11 =	vld.idx.msk [tilespmem:v10+s20+$0x0], $0xffff;
	_ =	sdelay $0x2  }
0x24a: {  	v12 =	vmul.u32 $0xFFFFFFFD, v10;
	_ =	sdelay $0x1  }
0x24b: {  	v8 =	vmov s28;
	v9 =	vadd.s32 v9, v12;
	v11 =	vmul.u32 $0x3, v11  }
0x24c: {  	s31 =	simm.s32 $0x10;
	v12 =	vadd.s32 v8, v9  }
0x24d: {  	v9 =	vadd.s32 v9, v11;
	v11 =	vor.u32 s31, v0  }
0x24e: {  	v13 =	vmulhi.u32 $0xAAAAAAAB, v11;
	_ =	sdelay $0x1  }
0x24f: {  	v13 =	vshrl.u32 v13, $0x1  }
0x250: {  	v12 =	vld.idx.msk [tilespmem:v12+s9+$0x0], $0xffff;
	v14 =	vmul.u32 $0xFFFFFFFD, v13  }
0x251: {  	v15 =	vmov s31;
	v16 =	vsub.s32 $0x0, v11;
	v9 =	vld.idx.msk [tilespmem:v9+s2+$0x0], $0xffff  }
0x252: {  	vm13 =	veq.s32 v15, v0;
	v17 =	vld.idx.msk [tilespmem:v10+s19+$0x0], $0xffff;
	vm14 =	vne.s32 v14, v16  }
0x253: {  	vm0 =	vmand vm13, vm14  }
0x254: {  	v10 =	vsel vm0, $0xFFFFFFFF, v2  }
0x255: {  	v10 =	vadd.s32 v10, v13  }
0x256: {  	v9 =	vsub.f32 v9, v12  }
0x257: {  	vm15 =	vle.f32 v17, $2.250000000e+00  }
0x258: {  	s0 =	simm.s32 $0x18900;
	v9 =	vnsel vm15, $0x0, v9  }
0x259: {  	[tilespmem:s0+$0x0] =	vst v9  }
0x25a: {  	v9 =	vld.idx.msk [tilespmem:v10+s20+$0x0], $0xffff;
	_ =	sdelay $0x2  }
0x25b: {  	v12 =	vmul.u32 $0xFFFFFFFD, v10;
	_ =	sdelay $0x1  }
0x25c: {  	v11 =	vadd.s32 v11, v12;
	v9 =	vmul.u32 $0x3, v9  }
0x25d: {  	v12 =	vadd.s32 v8, v11  }
0x25e: {  	s1 =	simm.s32 $0x20;
	v11 =	vadd.s32 v11, v9  }
0x25f: {  	s3 =	simm.s32 $0x30;
	v9 =	vor.u32 s1, v0  }
.LBB2_33:
0x260: {  	p0 =	sne.s32 s3, $0x170;
	v13 =	vmulhi.u32 $0xAAAAAAAB, v9;
	_ =	sdelay $0x1  }
0x261: {  	v13 =	vshrl.u32 v13, $0x1;
	v12 =	vld.idx.msk [tilespmem:v12+s9+$0x0], $0xffff  }
0x262: {  	v14 =	vmul.u32 $0xFFFFFFFD, v13;
	v11 =	vld.idx.msk [tilespmem:v11+s2+$0x0], $0xffff  }
0x263: {  	v15 =	vmov s1;
	v16 =	vsub.s32 $0x0, v9;
	s1 =	smov.u32 s3;
	v17 =	vld.idx.msk [tilespmem:v10+s19+$0x0], $0xffff  }
0x264: {  	vm0 =	veq.s32 v15, v0;
	vm1 =	vne.s32 v14, v16  }
0x265: {  	vm0 =	vmand vm0, vm1  }
0x266: {  	v10 =	vsel vm0, $0xFFFFFFFF, v2  }
0x267: {  	v10 =	vadd.s32 v10, v13  }
0x268: {  	v11 =	vsub.f32 v11, v12  }
0x269: {  	vm0 =	vle.f32 v17, $2.250000000e+00  }
0x26a: {  	s0 =	sadd.s32 $0x10, s0;
	v11 =	vnsel vm0, $0x0, v11  }
0x26b: {  	[tilespmem:s0+$0x0] =	vst v11  }
0x26c: {  	v11 =	vld.idx.msk [tilespmem:v10+s20+$0x0], $0xffff;
	_ =	sdelay $0x3  }
0x26d: {  	v12 =	vmul.u32 $0xFFFFFFFD, v10  }
.Ltmp22:
0x26e: {  	(pc) =	sbr.rel @p0 .LBB2_33-.Ltmp22, $4  }
0x26f: {  	v9 =	vadd.s32 v9, v12;
	v11 =	vmul.u32 $0x3, v11  }
0x270: {  	v12 =	vadd.s32 v8, v9  }
0x271: {  	v11 =	vadd.s32 v9, v11  }
0x272: {  	s3 =	sadd.s32 $0x10, s3;
	v9 =	vor.u32 s1, v0  }
0x273: {  	_ = 	snop  }
0x274: {  	v13 =	vmulhi.u32 $0xAAAAAAAB, v9;
	_ =	sdelay $0x1  }
0x275: {  	v13 =	vshrl.u32 v13, $0x1  }
0x276: {  	v12 =	vld.idx.msk [tilespmem:v12+s9+$0x0], $0xffff;
	v14 =	vmul.u32 $0xFFFFFFFD, v13  }
0x277: {  	v11 =	vld.idx.msk [tilespmem:v11+s2+$0x0], $0xffff;
	v15 =	vmov s1;
	v16 =	vsub.s32 $0x0, v9  }
0x278: {  	v10 =	vld.idx.msk [tilespmem:v10+s19+$0x0], $0xffff;
	vm0 =	veq.s32 v15, v0;
	vm1 =	vne.s32 v14, v16  }
0x279: {  	vm0 =	vmand vm0, vm1  }
0x27a: {  	v60 =	vsel vm0, $0xFFFFFFFF, v2  }
0x27b: {  	v13 =	vadd.s32 v60, v13  }
0x27c: {  	v11 =	vsub.f32 v11, v12  }
0x27d: {  	vm14 =	vle.f32 v10, $2.250000000e+00  }
0x27e: {  	s0 =	sadd.s32 $0x10, s0;
	v10 =	vnsel vm14, $0x0, v11  }
0x27f: {  	[tilespmem:s0+$0x0] =	vst v10  }
0x280: {  	v10 =	vld.idx.msk [tilespmem:v13+s20+$0x0], $0xffff;
	_ =	sdelay $0x2  }
0x281: {  	v61 =	vmul.u32 $0xFFFFFFFD, v13;
	_ =	sdelay $0x1  }
0x282: {  	v62 =	vadd.s32 v9, v61;
	v10 =	vmul.u32 $0x3, v10  }
0x283: {  	v8 =	vadd.s32 v8, v62  }
0x284: {  	v9 =	vadd.s32 v62, v10;
	_ =	sdelay $0x3  }
0x285: {  	v8 =	vld.idx.msk [tilespmem:v8+s9+$0x0], $0xffff  }
0x286: {  	v9 =	vld.idx.msk [tilespmem:v9+s2+$0x0], $0xffff  }
0x287: {  	v63 =	vld.idx.msk [tilespmem:v13+s19+$0x0], $0xffff;
	_ =	sdelay $0x2  }
0x288: {  	s29 =	sshll.u32 s26, $0x7  }
0x289: {  	s1 =	sand.u32 $0x380, s29;
	v8 =	vsub.f32 v9, v8  }
0x28a: {  	s30 =	rddreg [dreg:$0x1];
	s31 =	simm.s32 $0x80;
	s1 =	sor.u32 s7, s1;
	vm15 =	vle.f32 v63, $2.250000000e+00  }
0x28b: {  	s25 =	sadd.s32 $0x1, s25;
	s1 =	sshrl.u32 s1, $0x3;
	s0 =	sadd.s32 $0x10, s0;
	v8 =	vnsel vm15, $0x0, v8  }
0x28c: {  	s3 =	simm.s32 $0x400;
	p0 =	sne.s32 s25, $0x4;
	[tilespmem:s0+$0x0] =	vst v8;
	s0 =	sadd.s32 s30, s1  }
0x28d: {  	[hbm4b:s0+s31] =	stream.strided.scatter [tilespmem:s23], [sflag:$0x5], $0x180, s3, s31, $0x38;
	[tilespmem:$0x19780] =	vst v63  }
.Ltmp23:
0x28e: {  	_ = 	snop;
	(pc) =	sbr.rel @p0 .LBB2_2-.Ltmp23, $4  }
.Ltmp24:
0x28f: {  	_ = 	snop;
	(pc) =	sbr.rel @!p0 .LBB2_35-.Ltmp24, $4  }
0x290: {  	_ =	swait.ge [sflag:s10], $0x180  }
0x291: {  	[sflag:s10] =	ssyncset.done $0x0  }
0x292: {  	[sflag:s10] =	ssyncadd.s32 $0xFFFFFE80  }
0x293: {  	_ = 	snop  }
.LBB2_14:
.Ltmp25:
0x294: {  	(pc) =	sbr.rel .LBB2_17-.Ltmp25, $2  }
0x295: {  	_ =	sdelay $0x2  }
0x296: {  	s1 =	simm.s32 $0x40;
	v8 =	vimm.s32 $0x0  }
.LBB2_36:
0x297: {  	_ =	sfence.sel $0x180000  }
0x298: {  	[bflag:$0x0] =	sbarrier.arrive $0xFFFF  }
0x299: {  	_ =	strace $0x90000047  }
0x29a: {  	s0 =	stileid.u32;
	[bflag:$0x2] =	sbarrier.arrive $0xFFFF  }
0x29b: {  	p0 =	sne.s32 s0, $0x0;
	s0 =	rddreg [dreg:$0x2]  }
0x29c: {  	s0 =	sadd.s32 @!p0 $0x100000, s0  }
0x29d: {  	[sflag:s0] =	ssyncadd.tile.s32 @!p0 $0x1;
	_ =	shalt  }
.Lfunc_end2:
_tile_overlayer_lowered:
.L_overlay_start_2:
0x29e: {  	(tag) =	ssettag $0x2  }
0x29f: {  	s0 =	rddreg [dreg:$0x0];
	s2 =	stileid.u32  }
0x2a0: {  	s1 =	rddreg [dreg:$0x1];
	p0 =	sne.s32 s2, $0x0  }
0x2a1: {  	s3 =	rddreg [dreg:$0x2];
	[bflag:$0x3] =	sbarrier.arrive $0xFFFF;
	s2 =	simm.s32 @!p0 $0x1C05  }
0x2a2: {  	[timem:s3], [sflag:s2] =	dma.local @!p0 [hbm:s0], s1  }
0x2a3: {  	s0 =	simm.s32 @!p0 $0x5  }
0x2a4: {  	_ =	swait.ge @!p0 [sflag:s0], s1  }
0x2a5: {  	s1 =	ssub.s32 @!p0 $0x0, s1;
	[sflag:s0] =	ssyncset.done @!p0 $0x0  }
0x2a6: {  	[sflag:s0] =	ssyncadd.s32 @!p0 s1  }
0x2a7: {  	[bflag:$0x3] =	sbarrier.arrive $0xFFFF  }
0x2a8: {  	_ =	shalt  }

</sc_bundles>
